<compile_context>
chip_gen: v7x
topology: tpu7x:2x2x1
jax: 0.10.2.dev20260603
libtpu: 0.0.44.dev20260713+nightly
codegen_flags: <defaults>
</compile_context>

<pallas_src>
import functools

import jax
import jax.numpy as jnp
from jax import lax
from jax.experimental import pallas as pl
from jax.experimental.pallas import tpu as pltpu
from jax.experimental.pallas import tpu_sc as plsc

_CH = 128
_PAD = 128
_NB = 3


def _make_emb_kernel(B, L, H, V):
    info = plsc.get_sparse_core_info()
    NC, NS, LN = info.num_cores, info.num_subcores, info.num_lanes
    NW = NC * NS
    T = B * L
    assert T % (NW * _CH) == 0 and H % LN == 0
    chunks_per_w = T // (NW * _CH)
    full, rem = divmod(chunks_per_w, _NB)
    assert chunks_per_w > 2 * _NB

    mesh = plsc.VectorSubcoreMesh(core_axis_name="c", subcore_axis_name="s")

    @functools.partial(
        pl.kernel,
        out_type=jax.ShapeDtypeStruct((T // _CH, _CH, H), jnp.float32),
        mesh=mesh,
        scratch_types=[
            pltpu.VMEM((chunks_per_w * _CH,), jnp.int32),
            pltpu.VMEM((L, _PAD), jnp.float32),
        ] + [pltpu.VMEM((_CH, _PAD), jnp.float32) for _ in range(_NB)]
          + [pltpu.VMEM((_CH, H), jnp.float32) for _ in range(_NB)]
          + [pltpu.SemaphoreType.DMA for _ in range(2 * _NB)],
    )
    def emb_kernel(x_hbm, emb_hbm, pos_hbm, out_hbm, idx_v, pos_v, *bufs):
        gbufs = bufs[:_NB]
        ovs = bufs[_NB:2 * _NB]
        gsems = bufs[2 * _NB:3 * _NB]
        ssems = bufs[3 * _NB:4 * _NB]
        wid = lax.axis_index("s") * NC + lax.axis_index("c")
        tok0 = wid * chunks_per_w * _CH
        pltpu.sync_copy(pos_hbm, pos_v)
        pltpu.sync_copy(x_hbm.at[pl.ds(tok0, chunks_per_w * _CH)], idx_v)

        def start_gather(j, buf, sem):
            off = pl.multiple_of(j * _CH, _CH)
            pltpu.async_copy(emb_hbm.at[idx_v.at[pl.ds(off, _CH)]], buf, sem)

        def wait_gather(buf, sem):
            pltpu.make_async_copy(
                emb_hbm.at[idx_v.at[pl.ds(0, _CH)]], buf, sem).wait()

        def wait_store(ov, ssem):
            pltpu.make_async_copy(ov, out_hbm.at[0], ssem).wait()

        def add(j, buf, ov):
            base = pl.multiple_of(tok0 + j * _CH, _CH)

            @plsc.parallel_loop(0, _CH, step=1, unroll=8)
            def add_body(r):
                p = lax.rem(base + r, L)
                for c4 in range(H // LN):
                    sl = pl.ds(c4 * LN, LN)
                    ov[r, sl] = buf[r, sl] + pos_v[p, sl]

        def store(j, ov, ssem):
            pltpu.async_copy(ov, out_hbm.at[wid * chunks_per_w + j], ssem)

        for k in range(_NB):
            start_gather(k, gbufs[k], gsems[k])

        def ring_body(j3, carry):
            j0 = _NB * j3
            for k in range(_NB):
                j = j0 + k
                wait_gather(gbufs[k], gsems[k])

                @pl.when(j3 >= 1)
                def _():
                    wait_store(ovs[k], ssems[k])

                add(j, gbufs[k], ovs[k])

                @pl.when(j + _NB < chunks_per_w)
                def _():
                    start_gather(j + _NB, gbufs[k], gsems[k])

                store(j, ovs[k], ssems[k])
            return carry

        lax.fori_loop(0, full, ring_body, 0)
        for k in range(rem):
            j = full * _NB + k
            wait_gather(gbufs[k], gsems[k])
            wait_store(ovs[k], ssems[k])
            add(j, gbufs[k], ovs[k])
            store(j, ovs[k], ssems[k])
        for k in range(_NB):
            wait_store(ovs[k], ssems[k])

    return emb_kernel


def kernel(x, emb_table, pos_table):
    B, L = x.shape
    V, H = emb_table.shape
    emb_pad = jnp.pad(emb_table, ((0, 0), (0, _PAD - H)))
    pos_pad = jnp.pad(pos_table, ((0, 0), (0, _PAD - H)))
    x_flat = jnp.reshape(x.astype(jnp.int32), (-1,))
    emb = _make_emb_kernel(B, L, H, V)
    out = emb(x_flat, emb_pad, pos_pad)
    return jnp.reshape(out, (B, L, H))

# --- scband reference (transcript-rebuilt; emitter-appended) ---
"""Pipeline reference for scband-token-embedding-24429773979989 (READ-ONLY COPY).

The authoritative reference and input builder live on the scoring server;
editing this copy changes nothing except your own understanding.
"""

import jax, jax.numpy as jnp
import numpy as np

NUM_VOCAB = 100000
MAXLEN = 200
NUM_HID = 64
BATCH = 1024


def setup_inputs(seed: int = 0) -> dict:
    key = jax.random.key(seed)
    k1, k2, k3 = jax.random.split(key, 3)
    x = jax.random.randint(k1, (BATCH, MAXLEN), 0, NUM_VOCAB, dtype=jnp.int64 if jax.config.jax_enable_x64 else jnp.int32)
    # Keras Embedding default initializer is uniform; use small random values
    emb_table = jax.random.uniform(k2, (NUM_VOCAB, NUM_HID), dtype=jnp.float32, minval=-0.05, maxval=0.05)
    pos_table = jax.random.uniform(k3, (MAXLEN, NUM_HID), dtype=jnp.float32, minval=-0.05, maxval=0.05)
    return {"x": x, "emb_table": emb_table, "pos_table": pos_table}


def reference(x, emb_table, pos_table):
    # token embedding lookup
    tok = jnp.take(emb_table, x, axis=0)  # [B, L, H]
    # positional embedding over the sequence dimension
    maxlen = x.shape[-1]
    positions = jnp.arange(maxlen)
    pos = jnp.take(pos_table, positions, axis=0)  # [L, H]
    return tok + pos[None, :, :]

if __name__ == "__main__":
    import jax
    _d = setup_inputs()
    print(jax.jit(kernel)(*tuple(_d.values())))

</pallas_src>

<mosaic_0001>
#map = affine_map<(d0, d1) -> (0)>
#map1 = affine_map<(d0, d1) -> (0, 0)>
#map2 = affine_map<(d0, d1) -> (0, 0, 0)>
module attributes {stable_mosaic.version = 14 : i64} {
  func.func @emb_kernel(%arg0: i32, %arg1: i32, %arg2: memref<204800xi32, #tpu.memory_space<hbm>>, %arg3: memref<100000x128xf32, #tpu.memory_space<hbm>>, %arg4: memref<200x128xf32, #tpu.memory_space<hbm>>, %arg5: memref<1600x128x64xf32, #tpu.memory_space<hbm>>, %arg6: memref<6400xi32, #tpu.memory_space<vmem>>, %arg7: memref<200x128xf32, #tpu.memory_space<vmem>>, %arg8: memref<128x128xf32, #tpu.memory_space<vmem>>, %arg9: memref<128x128xf32, #tpu.memory_space<vmem>>, %arg10: memref<128x128xf32, #tpu.memory_space<vmem>>, %arg11: memref<128x64xf32, #tpu.memory_space<vmem>>, %arg12: memref<128x64xf32, #tpu.memory_space<vmem>>, %arg13: memref<128x64xf32, #tpu.memory_space<vmem>>, %arg14: memref<!tpu.dma_semaphore, #tpu.memory_space<semaphore_mem>>, %arg15: memref<!tpu.dma_semaphore, #tpu.memory_space<semaphore_mem>>, %arg16: memref<!tpu.dma_semaphore, #tpu.memory_space<semaphore_mem>>, %arg17: memref<!tpu.dma_semaphore, #tpu.memory_space<semaphore_mem>>, %arg18: memref<!tpu.dma_semaphore, #tpu.memory_space<semaphore_mem>>, %arg19: memref<!tpu.dma_semaphore, #tpu.memory_space<semaphore_mem>>) attributes {dimension_semantics = [#tpu.dimension_semantics<core_parallel>, #tpu.dimension_semantics<subcore_parallel>], iteration_bounds = array<i64: 2, 16>, scalar_prefetch = 0 : i64, scratch_operands = 14 : i64, tpu.core_type = #tpu.core_type<sc_vector_subcore>, window_params = [{transform_indices = #map}, {transform_indices = #map1}, {transform_indices = #map1}, {transform_indices = #map2}]} {
    %mul3A = arith.constant 2 : i32
    %mul3A_0 = arith.muli %arg1, %mul3A : i32
    %add3A = arith.addi %mul3A_0, %arg0 : i32
    %mul3A_1 = arith.constant 50 : i32
    %mul3A_2 = arith.muli %add3A, %mul3A_1 : i32
    %mul3A_3 = arith.constant 128 : i32
    %mul3A_4 = arith.muli %mul3A_2, %mul3A_3 : i32
    "tpu.region"() ({
      %run_scoped3A = tpu.sem_alloc : memref<!tpu.dma_semaphore, #tpu.memory_space<semaphore_mem>>
      tpu.enqueue_dma source(%arg4 : memref<200x128xf32, #tpu.memory_space<hbm>>) target(%arg7 : memref<200x128xf32, #tpu.memory_space<vmem>>) target_semaphore(%run_scoped3A : memref<!tpu.dma_semaphore, #tpu.memory_space<semaphore_mem>>)
      tpu.wait_dma2 semaphore(%run_scoped3A : memref<!tpu.dma_semaphore, #tpu.memory_space<semaphore_mem>>) src(%arg4 : memref<200x128xf32, #tpu.memory_space<hbm>>) dst(%arg7 : memref<200x128xf32, #tpu.memory_space<vmem>>)
      tpu.yield
    }) : () -> ()
    "tpu.region"() ({
      %run_scoped3A = tpu.sem_alloc : memref<!tpu.dma_semaphore, #tpu.memory_space<semaphore_mem>>
      %dma_start3A_115 = tpu.memref_slice %arg2[%mul3A_4] : memref<204800xi32, #tpu.memory_space<hbm>> -> memref<6400xi32, #tpu.memory_space<hbm>>
      %dma_start3A_116 = tpu.memref_slice %arg2[%mul3A_4] : memref<204800xi32, #tpu.memory_space<hbm>> -> memref<6400xi32, #tpu.memory_space<hbm>>
      tpu.enqueue_dma source(%dma_start3A_116 : memref<6400xi32, #tpu.memory_space<hbm>>) target(%arg6 : memref<6400xi32, #tpu.memory_space<vmem>>) target_semaphore(%run_scoped3A : memref<!tpu.dma_semaphore, #tpu.memory_space<semaphore_mem>>)
      %dma_wait3A_117 = tpu.memref_slice %arg2[%mul3A_4] : memref<204800xi32, #tpu.memory_space<hbm>> -> memref<6400xi32, #tpu.memory_space<hbm>>
      %dma_wait3A_118 = tpu.memref_slice %arg2[%mul3A_4] : memref<204800xi32, #tpu.memory_space<hbm>> -> memref<6400xi32, #tpu.memory_space<hbm>>
      tpu.wait_dma2 semaphore(%run_scoped3A : memref<!tpu.dma_semaphore, #tpu.memory_space<semaphore_mem>>) src(%dma_wait3A_118 : memref<6400xi32, #tpu.memory_space<hbm>>) dst(%arg6 : memref<6400xi32, #tpu.memory_space<vmem>>)
      tpu.yield
    }) : () -> ()
    %multiple_of3A = arith.constant 0 : i32
    %multiple_of3A_5 = tpu.assume_multiple %multiple_of3A, 128 : i32
    %dma_start3A = tpu.memref_slice %arg6[%multiple_of3A_5] : memref<6400xi32, #tpu.memory_space<vmem>> -> memref<128xi32, #tpu.memory_space<vmem>>
    %dma_start3A_6 = arith.constant 0 : i32
    %dma_start3A_7 = arith.constant 0 : i32
    %dma_start3A_8 = tpu.memref_slice %arg3[%dma_start3A_6, %dma_start3A_7] : memref<100000x128xf32, #tpu.memory_space<hbm>> -> memref<100000x128xf32, #tpu.memory_space<hbm>>
    tpu.enqueue_indirect_dma source(%dma_start3A_8 : memref<100000x128xf32, #tpu.memory_space<hbm>>) target(%arg8 : memref<128x128xf32, #tpu.memory_space<vmem>>) offsets(%dma_start3A : memref<128xi32, #tpu.memory_space<vmem>>) semaphore(%arg14 : memref<!tpu.dma_semaphore, #tpu.memory_space<semaphore_mem>>)
    %multiple_of3A_9 = arith.constant 128 : i32
    %multiple_of3A_10 = tpu.assume_multiple %multiple_of3A_9, 128 : i32
    %dma_start3A_11 = tpu.memref_slice %arg6[%multiple_of3A_10] : memref<6400xi32, #tpu.memory_space<vmem>> -> memref<128xi32, #tpu.memory_space<vmem>>
    %dma_start3A_12 = arith.constant 0 : i32
    %dma_start3A_13 = arith.constant 0 : i32
    %dma_start3A_14 = tpu.memref_slice %arg3[%dma_start3A_12, %dma_start3A_13] : memref<100000x128xf32, #tpu.memory_space<hbm>> -> memref<100000x128xf32, #tpu.memory_space<hbm>>
    tpu.enqueue_indirect_dma source(%dma_start3A_14 : memref<100000x128xf32, #tpu.memory_space<hbm>>) target(%arg9 : memref<128x128xf32, #tpu.memory_space<vmem>>) offsets(%dma_start3A_11 : memref<128xi32, #tpu.memory_space<vmem>>) semaphore(%arg15 : memref<!tpu.dma_semaphore, #tpu.memory_space<semaphore_mem>>)
    %multiple_of3A_15 = arith.constant 256 : i32
    %multiple_of3A_16 = tpu.assume_multiple %multiple_of3A_15, 128 : i32
    %dma_start3A_17 = tpu.memref_slice %arg6[%multiple_of3A_16] : memref<6400xi32, #tpu.memory_space<vmem>> -> memref<128xi32, #tpu.memory_space<vmem>>
    %dma_start3A_18 = arith.constant 0 : i32
    %dma_start3A_19 = arith.constant 0 : i32
    %dma_start3A_20 = tpu.memref_slice %arg3[%dma_start3A_18, %dma_start3A_19] : memref<100000x128xf32, #tpu.memory_space<hbm>> -> memref<100000x128xf32, #tpu.memory_space<hbm>>
    tpu.enqueue_indirect_dma source(%dma_start3A_20 : memref<100000x128xf32, #tpu.memory_space<hbm>>) target(%arg10 : memref<128x128xf32, #tpu.memory_space<vmem>>) offsets(%dma_start3A_17 : memref<128xi32, #tpu.memory_space<vmem>>) semaphore(%arg16 : memref<!tpu.dma_semaphore, #tpu.memory_space<semaphore_mem>>)
    %scan3A = arith.constant 0 : i32
    %scan3A_21 = arith.constant 0 : i32
    %scan3A_22 = arith.constant 16 : i32
    %scan3A_23 = arith.addi %scan3A_21, %scan3A_22 : i32
    %scan3A_24 = arith.constant 1 : i32
    scf.for %scan3A_115 = %scan3A_21 to %scan3A_23 step %scan3A_24  : i32 {
      %mul3A_116 = arith.constant 3 : i32
      %mul3A_117 = arith.muli %mul3A_116, %scan3A_115 : i32
      %add3A_118 = arith.constant 0 : i32
      %add3A_119 = arith.addi %mul3A_117, %add3A_118 : i32
      %dma_wait3A_120 = arith.constant 0 : i32
      %dma_wait3A_121 = tpu.memref_slice %arg6[%dma_wait3A_120] : memref<6400xi32, #tpu.memory_space<vmem>> -> memref<128xi32, #tpu.memory_space<vmem>>
      %dma_wait3A_122 = arith.constant 0 : i32
      %dma_wait3A_123 = arith.constant 0 : i32
      %dma_wait3A_124 = tpu.memref_slice %arg3[%dma_wait3A_122, %dma_wait3A_123] : memref<100000x128xf32, #tpu.memory_space<hbm>> -> memref<100000x128xf32, #tpu.memory_space<hbm>>
      tpu.wait_indirect_dma semaphore(%arg14 : memref<!tpu.dma_semaphore, #tpu.memory_space<semaphore_mem>>) src(%dma_wait3A_124 : memref<100000x128xf32, #tpu.memory_space<hbm>>) dst(%arg8 : memref<128x128xf32, #tpu.memory_space<vmem>>)
      %ge3A = arith.constant 1 : i32
      %ge3A_125 = arith.cmpi sge, %scan3A_115, %ge3A : i32
      %convert_element_type3A = arith.extui %ge3A_125 : i1 to i32
      %cond3A = arith.constant 0 : i32
      %cond3A_126 = arith.cmpi ne, %convert_element_type3A, %cond3A : i32
      scf.if %cond3A_126 {
        %dma_wait3A_225 = arith.constant 0 : i32
        %dma_wait3A_226 = arith.constant 0 : i32
        %dma_wait3A_227 = arith.constant 0 : i32
        %dma_wait3A_228 = tpu.memref_slice %arg5[%dma_wait3A_225, %dma_wait3A_226, %dma_wait3A_227] : memref<1600x128x64xf32, #tpu.memory_space<hbm>> -> memref<1x128x64xf32, #tpu.memory_space<hbm>>
        %dma_wait3A_229 = tpu.memref_squeeze %dma_wait3A_228 : memref<1x128x64xf32, #tpu.memory_space<hbm>> -> memref<128x64xf32, #tpu.memory_space<hbm>>
        %dma_wait3A_230 = arith.constant 0 : i32
        %dma_wait3A_231 = arith.constant 0 : i32
        %dma_wait3A_232 = tpu.memref_slice %arg5[%dma_wait3A_225, %dma_wait3A_230, %dma_wait3A_231] : memref<1600x128x64xf32, #tpu.memory_space<hbm>> -> memref<1x128x64xf32, #tpu.memory_space<hbm>>
        %dma_wait3A_233 = tpu.memref_squeeze %dma_wait3A_232 : memref<1x128x64xf32, #tpu.memory_space<hbm>> -> memref<128x64xf32, #tpu.memory_space<hbm>>
        tpu.wait_dma2 semaphore(%arg17 : memref<!tpu.dma_semaphore, #tpu.memory_space<semaphore_mem>>) src(%arg11 : memref<128x64xf32, #tpu.memory_space<vmem>>) dst(%dma_wait3A_233 : memref<128x64xf32, #tpu.memory_space<hbm>>)
      } else {
      }
      %mul3A_127 = arith.constant 128 : i32
      %mul3A_128 = arith.muli %add3A_119, %mul3A_127 : i32
      %add3A_129 = arith.addi %mul3A_4, %mul3A_128 : i32
      %multiple_of3A_130 = tpu.assume_multiple %add3A_129, 128 : i32
      %parallel_loop3A_131 = arith.constant 0 : i32
      %parallel_loop3A_132 = arith.constant 128 : i32
      %parallel_loop3A_133 = arith.constant 1 : i32
      scf.for %parallel_loop3A_225 = %parallel_loop3A_131 to %parallel_loop3A_132 step %parallel_loop3A_133  : i32 {
        %parallel_loop3A_226 = arith.addi %multiple_of3A_130, %parallel_loop3A_225 : i32
        %parallel_loop3A_227 = arith.constant 200 : i32
        %parallel_loop3A_228 = arith.remsi %parallel_loop3A_226, %parallel_loop3A_227 : i32
        %parallel_loop3A_229 = arith.index_cast %parallel_loop3A_225 : i32 to index
        %parallel_loop3A_230 = arith.constant 0 : index
        %parallel_loop3A_231 = tpu.vector_load %arg8[%parallel_loop3A_229, %parallel_loop3A_230] {strides = array<i32>} : memref<128x128xf32, #tpu.memory_space<vmem>>, vector<1x16xf32>,
        %parallel_loop3A_232 = vector.shape_cast %parallel_loop3A_231 : vector<1x16xf32> to vector<16xf32>
        %parallel_loop3A_233 = arith.index_cast %parallel_loop3A_228 : i32 to index
        %parallel_loop3A_234 = arith.constant 0 : index
        %parallel_loop3A_235 = tpu.vector_load %arg7[%parallel_loop3A_233, %parallel_loop3A_234] {strides = array<i32>} : memref<200x128xf32, #tpu.memory_space<vmem>>, vector<1x16xf32>,
        %parallel_loop3A_236 = vector.shape_cast %parallel_loop3A_235 : vector<1x16xf32> to vector<16xf32>
        %parallel_loop3A_237 = arith.addf %parallel_loop3A_232, %parallel_loop3A_236 : vector<16xf32>
        %parallel_loop3A_238 = arith.index_cast %parallel_loop3A_225 : i32 to index
        %parallel_loop3A_239 = arith.constant 0 : index
        %parallel_loop3A_240 = tpu.vector_load %arg11[%parallel_loop3A_238, %parallel_loop3A_239] {strides = array<i32>} : memref<128x64xf32, #tpu.memory_space<vmem>>, vector<1x16xf32>,
        %parallel_loop3A_241 = vector.shape_cast %parallel_loop3A_240 : vector<1x16xf32> to vector<16xf32>
        %parallel_loop3A_242 = vector.shape_cast %parallel_loop3A_237 : vector<16xf32> to vector<1x16xf32>
        tpu.vector_store %arg11[%parallel_loop3A_238, %parallel_loop3A_239], %parallel_loop3A_242 {strides = array<i32>} : memref<128x64xf32, #tpu.memory_space<vmem>>, vector<1x16xf32>,
        %parallel_loop3A_243 = arith.index_cast %parallel_loop3A_225 : i32 to index
        %parallel_loop3A_244 = arith.constant 16 : index
        %parallel_loop3A_245 = tpu.vector_load %arg8[%parallel_loop3A_243, %parallel_loop3A_244] {strides = array<i32>} : memref<128x128xf32, #tpu.memory_space<vmem>>, vector<1x16xf32>,
        %parallel_loop3A_246 = vector.shape_cast %parallel_loop3A_245 : vector<1x16xf32> to vector<16xf32>
        %parallel_loop3A_247 = arith.index_cast %parallel_loop3A_228 : i32 to index
        %parallel_loop3A_248 = arith.constant 16 : index
        %parallel_loop3A_249 = tpu.vector_load %arg7[%parallel_loop3A_247, %parallel_loop3A_248] {strides = array<i32>} : memref<200x128xf32, #tpu.memory_space<vmem>>, vector<1x16xf32>,
        %parallel_loop3A_250 = vector.shape_cast %parallel_loop3A_249 : vector<1x16xf32> to vector<16xf32>
        %parallel_loop3A_251 = arith.addf %parallel_loop3A_246, %parallel_loop3A_250 : vector<16xf32>
        %parallel_loop3A_252 = arith.index_cast %parallel_loop3A_225 : i32 to index
        %parallel_loop3A_253 = arith.constant 16 : index
        %parallel_loop3A_254 = tpu.vector_load %arg11[%parallel_loop3A_252, %parallel_loop3A_253] {strides = array<i32>} : memref<128x64xf32, #tpu.memory_space<vmem>>, vector<1x16xf32>,
        %parallel_loop3A_255 = vector.shape_cast %parallel_loop3A_254 : vector<1x16xf32> to vector<16xf32>
        %parallel_loop3A_256 = vector.shape_cast %parallel_loop3A_251 : vector<16xf32> to vector<1x16xf32>
        tpu.vector_store %arg11[%parallel_loop3A_252, %parallel_loop3A_253], %parallel_loop3A_256 {strides = array<i32>} : memref<128x64xf32, #tpu.memory_space<vmem>>, vector<1x16xf32>,
        %parallel_loop3A_257 = arith.index_cast %parallel_loop3A_225 : i32 to index
        %parallel_loop3A_258 = arith.constant 32 : index
        %parallel_loop3A_259 = tpu.vector_load %arg8[%parallel_loop3A_257, %parallel_loop3A_258] {strides = array<i32>} : memref<128x128xf32, #tpu.memory_space<vmem>>, vector<1x16xf32>,
        %parallel_loop3A_260 = vector.shape_cast %parallel_loop3A_259 : vector<1x16xf32> to vector<16xf32>
        %parallel_loop3A_261 = arith.index_cast %parallel_loop3A_228 : i32 to index
        %parallel_loop3A_262 = arith.constant 32 : index
        %parallel_loop3A_263 = tpu.vector_load %arg7[%parallel_loop3A_261, %parallel_loop3A_262] {strides = array<i32>} : memref<200x128xf32, #tpu.memory_space<vmem>>, vector<1x16xf32>,
        %parallel_loop3A_264 = vector.shape_cast %parallel_loop3A_263 : vector<1x16xf32> to vector<16xf32>
        %parallel_loop3A_265 = arith.addf %parallel_loop3A_260, %parallel_loop3A_264 : vector<16xf32>
        %parallel_loop3A_266 = arith.index_cast %parallel_loop3A_225 : i32 to index
        %parallel_loop3A_267 = arith.constant 32 : index
        %parallel_loop3A_268 = tpu.vector_load %arg11[%parallel_loop3A_266, %parallel_loop3A_267] {strides = array<i32>} : memref<128x64xf32, #tpu.memory_space<vmem>>, vector<1x16xf32>,
        %parallel_loop3A_269 = vector.shape_cast %parallel_loop3A_268 : vector<1x16xf32> to vector<16xf32>
        %parallel_loop3A_270 = vector.shape_cast %parallel_loop3A_265 : vector<16xf32> to vector<1x16xf32>
        tpu.vector_store %arg11[%parallel_loop3A_266, %parallel_loop3A_267], %parallel_loop3A_270 {strides = array<i32>} : memref<128x64xf32, #tpu.memory_space<vmem>>, vector<1x16xf32>,
        %parallel_loop3A_271 = arith.index_cast %parallel_loop3A_225 : i32 to index
        %parallel_loop3A_272 = arith.constant 48 : index
        %parallel_loop3A_273 = tpu.vector_load %arg8[%parallel_loop3A_271, %parallel_loop3A_272] {strides = array<i32>} : memref<128x128xf32, #tpu.memory_space<vmem>>, vector<1x16xf32>,
        %parallel_loop3A_274 = vector.shape_cast %parallel_loop3A_273 : vector<1x16xf32> to vector<16xf32>
        %parallel_loop3A_275 = arith.index_cast %parallel_loop3A_228 : i32 to index
        %parallel_loop3A_276 = arith.constant 48 : index
        %parallel_loop3A_277 = tpu.vector_load %arg7[%parallel_loop3A_275, %parallel_loop3A_276] {strides = array<i32>} : memref<200x128xf32, #tpu.memory_space<vmem>>, vector<1x16xf32>,
        %parallel_loop3A_278 = vector.shape_cast %parallel_loop3A_277 : vector<1x16xf32> to vector<16xf32>
        %parallel_loop3A_279 = arith.addf %parallel_loop3A_274, %parallel_loop3A_278 : vector<16xf32>
        %parallel_loop3A_280 = arith.index_cast %parallel_loop3A_225 : i32 to index
        %parallel_loop3A_281 = arith.constant 48 : index
        %parallel_loop3A_282 = tpu.vector_load %arg11[%parallel_loop3A_280, %parallel_loop3A_281] {strides = array<i32>} : memref<128x64xf32, #tpu.memory_space<vmem>>, vector<1x16xf32>,
        %parallel_loop3A_283 = vector.shape_cast %parallel_loop3A_282 : vector<1x16xf32> to vector<16xf32>
        %parallel_loop3A_284 = vector.shape_cast %parallel_loop3A_279 : vector<16xf32> to vector<1x16xf32>
        tpu.vector_store %arg11[%parallel_loop3A_280, %parallel_loop3A_281], %parallel_loop3A_284 {strides = array<i32>} : memref<128x64xf32, #tpu.memory_space<vmem>>, vector<1x16xf32>,
      } {sc.loop_unroll_factor = 8 : i64, sc.parallel_access}
      %add3A_134 = arith.constant 3 : i32
      %add3A_135 = arith.addi %add3A_119, %add3A_134 : i32
      %lt3A = arith.constant 50 : i32
      %lt3A_136 = arith.cmpi slt, %add3A_135, %lt3A : i32
      %convert_element_type3A_137 = arith.extui %lt3A_136 : i1 to i32
      %cond3A_138 = arith.constant 0 : i32
      %cond3A_139 = arith.cmpi ne, %convert_element_type3A_137, %cond3A_138 : i32
      scf.if %cond3A_139 {
        %add3A_225 = arith.constant 3 : i32
        %add3A_226 = arith.addi %add3A_119, %add3A_225 : i32
        %mul3A_227 = arith.constant 128 : i32
        %mul3A_228 = arith.muli %add3A_226, %mul3A_227 : i32
        %multiple_of3A_229 = tpu.assume_multiple %mul3A_228, 128 : i32
        %dma_start3A_230 = tpu.memref_slice %arg6[%multiple_of3A_229] : memref<6400xi32, #tpu.memory_space<vmem>> -> memref<128xi32, #tpu.memory_space<vmem>>
        %dma_start3A_231 = arith.constant 0 : i32
        %dma_start3A_232 = arith.constant 0 : i32
        %dma_start3A_233 = tpu.memref_slice %arg3[%dma_start3A_231, %dma_start3A_232] : memref<100000x128xf32, #tpu.memory_space<hbm>> -> memref<100000x128xf32, #tpu.memory_space<hbm>>
        tpu.enqueue_indirect_dma source(%dma_start3A_233 : memref<100000x128xf32, #tpu.memory_space<hbm>>) target(%arg8 : memref<128x128xf32, #tpu.memory_space<vmem>>) offsets(%dma_start3A_230 : memref<128xi32, #tpu.memory_space<vmem>>) semaphore(%arg14 : memref<!tpu.dma_semaphore, #tpu.memory_space<semaphore_mem>>)
      } else {
      }
      %mul3A_140 = arith.constant 50 : i32
      %mul3A_141 = arith.muli %add3A, %mul3A_140 : i32
      %add3A_142 = arith.addi %mul3A_141, %add3A_119 : i32
      %dma_start3A_143 = arith.constant 0 : i32
      %dma_start3A_144 = arith.constant 0 : i32
      %dma_start3A_145 = tpu.memref_slice %arg5[%add3A_142, %dma_start3A_143, %dma_start3A_144] : memref<1600x128x64xf32, #tpu.memory_space<hbm>> -> memref<1x128x64xf32, #tpu.memory_space<hbm>>
      %dma_start3A_146 = tpu.memref_squeeze %dma_start3A_145 : memref<1x128x64xf32, #tpu.memory_space<hbm>> -> memref<128x64xf32, #tpu.memory_space<hbm>>
      %dma_start3A_147 = arith.constant 0 : i32
      %dma_start3A_148 = arith.constant 0 : i32
      %dma_start3A_149 = tpu.memref_slice %arg5[%add3A_142, %dma_start3A_147, %dma_start3A_148] : memref<1600x128x64xf32, #tpu.memory_space<hbm>> -> memref<1x128x64xf32, #tpu.memory_space<hbm>>
      %dma_start3A_150 = tpu.memref_squeeze %dma_start3A_149 : memref<1x128x64xf32, #tpu.memory_space<hbm>> -> memref<128x64xf32, #tpu.memory_space<hbm>>
      tpu.enqueue_dma source(%arg11 : memref<128x64xf32, #tpu.memory_space<vmem>>) target(%dma_start3A_150 : memref<128x64xf32, #tpu.memory_space<hbm>>) target_semaphore(%arg17 : memref<!tpu.dma_semaphore, #tpu.memory_space<semaphore_mem>>)
      %add3A_151 = arith.constant 1 : i32
      %add3A_152 = arith.addi %mul3A_117, %add3A_151 : i32
      %dma_wait3A_153 = arith.constant 0 : i32
      %dma_wait3A_154 = tpu.memref_slice %arg6[%dma_wait3A_153] : memref<6400xi32, #tpu.memory_space<vmem>> -> memref<128xi32, #tpu.memory_space<vmem>>
      %dma_wait3A_155 = arith.constant 0 : i32
      %dma_wait3A_156 = arith.constant 0 : i32
      %dma_wait3A_157 = tpu.memref_slice %arg3[%dma_wait3A_155, %dma_wait3A_156] : memref<100000x128xf32, #tpu.memory_space<hbm>> -> memref<100000x128xf32, #tpu.memory_space<hbm>>
      tpu.wait_indirect_dma semaphore(%arg15 : memref<!tpu.dma_semaphore, #tpu.memory_space<semaphore_mem>>) src(%dma_wait3A_157 : memref<100000x128xf32, #tpu.memory_space<hbm>>) dst(%arg9 : memref<128x128xf32, #tpu.memory_space<vmem>>)
      %ge3A_158 = arith.constant 1 : i32
      %ge3A_159 = arith.cmpi sge, %scan3A_115, %ge3A_158 : i32
      %convert_element_type3A_160 = arith.extui %ge3A_159 : i1 to i32
      %cond3A_161 = arith.constant 0 : i32
      %cond3A_162 = arith.cmpi ne, %convert_element_type3A_160, %cond3A_161 : i32
      scf.if %cond3A_162 {
        %dma_wait3A_225 = arith.constant 0 : i32
        %dma_wait3A_226 = arith.constant 0 : i32
        %dma_wait3A_227 = arith.constant 0 : i32
        %dma_wait3A_228 = tpu.memref_slice %arg5[%dma_wait3A_225, %dma_wait3A_226, %dma_wait3A_227] : memref<1600x128x64xf32, #tpu.memory_space<hbm>> -> memref<1x128x64xf32, #tpu.memory_space<hbm>>
        %dma_wait3A_229 = tpu.memref_squeeze %dma_wait3A_228 : memref<1x128x64xf32, #tpu.memory_space<hbm>> -> memref<128x64xf32, #tpu.memory_space<hbm>>
        %dma_wait3A_230 = arith.constant 0 : i32
        %dma_wait3A_231 = arith.constant 0 : i32
        %dma_wait3A_232 = tpu.memref_slice %arg5[%dma_wait3A_225, %dma_wait3A_230, %dma_wait3A_231] : memref<1600x128x64xf32, #tpu.memory_space<hbm>> -> memref<1x128x64xf32, #tpu.memory_space<hbm>>
        %dma_wait3A_233 = tpu.memref_squeeze %dma_wait3A_232 : memref<1x128x64xf32, #tpu.memory_space<hbm>> -> memref<128x64xf32, #tpu.memory_space<hbm>>
        tpu.wait_dma2 semaphore(%arg18 : memref<!tpu.dma_semaphore, #tpu.memory_space<semaphore_mem>>) src(%arg12 : memref<128x64xf32, #tpu.memory_space<vmem>>) dst(%dma_wait3A_233 : memref<128x64xf32, #tpu.memory_space<hbm>>)
      } else {
      }
      %mul3A_163 = arith.constant 128 : i32
      %mul3A_164 = arith.muli %add3A_152, %mul3A_163 : i32
      %add3A_165 = arith.addi %mul3A_4, %mul3A_164 : i32
      %multiple_of3A_166 = tpu.assume_multiple %add3A_165, 128 : i32
      %parallel_loop3A_167 = arith.constant 0 : i32
      %parallel_loop3A_168 = arith.constant 128 : i32
      %parallel_loop3A_169 = arith.constant 1 : i32
      scf.for %parallel_loop3A_225 = %parallel_loop3A_167 to %parallel_loop3A_168 step %parallel_loop3A_169  : i32 {
        %parallel_loop3A_226 = arith.addi %multiple_of3A_166, %parallel_loop3A_225 : i32
        %parallel_loop3A_227 = arith.constant 200 : i32
        %parallel_loop3A_228 = arith.remsi %parallel_loop3A_226, %parallel_loop3A_227 : i32
        %parallel_loop3A_229 = arith.index_cast %parallel_loop3A_225 : i32 to index
        %parallel_loop3A_230 = arith.constant 0 : index
        %parallel_loop3A_231 = tpu.vector_load %arg9[%parallel_loop3A_229, %parallel_loop3A_230] {strides = array<i32>} : memref<128x128xf32, #tpu.memory_space<vmem>>, vector<1x16xf32>,
        %parallel_loop3A_232 = vector.shape_cast %parallel_loop3A_231 : vector<1x16xf32> to vector<16xf32>
        %parallel_loop3A_233 = arith.index_cast %parallel_loop3A_228 : i32 to index
        %parallel_loop3A_234 = arith.constant 0 : index
        %parallel_loop3A_235 = tpu.vector_load %arg7[%parallel_loop3A_233, %parallel_loop3A_234] {strides = array<i32>} : memref<200x128xf32, #tpu.memory_space<vmem>>, vector<1x16xf32>,
        %parallel_loop3A_236 = vector.shape_cast %parallel_loop3A_235 : vector<1x16xf32> to vector<16xf32>
        %parallel_loop3A_237 = arith.addf %parallel_loop3A_232, %parallel_loop3A_236 : vector<16xf32>
        %parallel_loop3A_238 = arith.index_cast %parallel_loop3A_225 : i32 to index
        %parallel_loop3A_239 = arith.constant 0 : index
        %parallel_loop3A_240 = tpu.vector_load %arg12[%parallel_loop3A_238, %parallel_loop3A_239] {strides = array<i32>} : memref<128x64xf32, #tpu.memory_space<vmem>>, vector<1x16xf32>,
        %parallel_loop3A_241 = vector.shape_cast %parallel_loop3A_240 : vector<1x16xf32> to vector<16xf32>
        %parallel_loop3A_242 = vector.shape_cast %parallel_loop3A_237 : vector<16xf32> to vector<1x16xf32>
        tpu.vector_store %arg12[%parallel_loop3A_238, %parallel_loop3A_239], %parallel_loop3A_242 {strides = array<i32>} : memref<128x64xf32, #tpu.memory_space<vmem>>, vector<1x16xf32>,
        %parallel_loop3A_243 = arith.index_cast %parallel_loop3A_225 : i32 to index
        %parallel_loop3A_244 = arith.constant 16 : index
        %parallel_loop3A_245 = tpu.vector_load %arg9[%parallel_loop3A_243, %parallel_loop3A_244] {strides = array<i32>} : memref<128x128xf32, #tpu.memory_space<vmem>>, vector<1x16xf32>,
        %parallel_loop3A_246 = vector.shape_cast %parallel_loop3A_245 : vector<1x16xf32> to vector<16xf32>
        %parallel_loop3A_247 = arith.index_cast %parallel_loop3A_228 : i32 to index
        %parallel_loop3A_248 = arith.constant 16 : index
        %parallel_loop3A_249 = tpu.vector_load %arg7[%parallel_loop3A_247, %parallel_loop3A_248] {strides = array<i32>} : memref<200x128xf32, #tpu.memory_space<vmem>>, vector<1x16xf32>,
        %parallel_loop3A_250 = vector.shape_cast %parallel_loop3A_249 : vector<1x16xf32> to vector<16xf32>
        %parallel_loop3A_251 = arith.addf %parallel_loop3A_246, %parallel_loop3A_250 : vector<16xf32>
        %parallel_loop3A_252 = arith.index_cast %parallel_loop3A_225 : i32 to index
        %parallel_loop3A_253 = arith.constant 16 : index
        %parallel_loop3A_254 = tpu.vector_load %arg12[%parallel_loop3A_252, %parallel_loop3A_253] {strides = array<i32>} : memref<128x64xf32, #tpu.memory_space<vmem>>, vector<1x16xf32>,
        %parallel_loop3A_255 = vector.shape_cast %parallel_loop3A_254 : vector<1x16xf32> to vector<16xf32>
        %parallel_loop3A_256 = vector.shape_cast %parallel_loop3A_251 : vector<16xf32> to vector<1x16xf32>
        tpu.vector_store %arg12[%parallel_loop3A_252, %parallel_loop3A_253], %parallel_loop3A_256 {strides = array<i32>} : memref<128x64xf32, #tpu.memory_space<vmem>>, vector<1x16xf32>,
        %parallel_loop3A_257 = arith.index_cast %parallel_loop3A_225 : i32 to index
        %parallel_loop3A_258 = arith.constant 32 : index
        %parallel_loop3A_259 = tpu.vector_load %arg9[%parallel_loop3A_257, %parallel_loop3A_258] {strides = array<i32>} : memref<128x128xf32, #tpu.memory_space<vmem>>, vector<1x16xf32>,
        %parallel_loop3A_260 = vector.shape_cast %parallel_loop3A_259 : vector<1x16xf32> to vector<16xf32>
        %parallel_loop3A_261 = arith.index_cast %parallel_loop3A_228 : i32 to index
        %parallel_loop3A_262 = arith.constant 32 : index
        %parallel_loop3A_263 = tpu.vector_load %arg7[%parallel_loop3A_261, %parallel_loop3A_262] {strides = array<i32>} : memref<200x128xf32, #tpu.memory_space<vmem>>, vector<1x16xf32>,
        %parallel_loop3A_264 = vector.shape_cast %parallel_loop3A_263 : vector<1x16xf32> to vector<16xf32>
        %parallel_loop3A_265 = arith.addf %parallel_loop3A_260, %parallel_loop3A_264 : vector<16xf32>
        %parallel_loop3A_266 = arith.index_cast %parallel_loop3A_225 : i32 to index
        %parallel_loop3A_267 = arith.constant 32 : index
        %parallel_loop3A_268 = tpu.vector_load %arg12[%parallel_loop3A_266, %parallel_loop3A_267] {strides = array<i32>} : memref<128x64xf32, #tpu.memory_space<vmem>>, vector<1x16xf32>,
        %parallel_loop3A_269 = vector.shape_cast %parallel_loop3A_268 : vector<1x16xf32> to vector<16xf32>
        %parallel_loop3A_270 = vector.shape_cast %parallel_loop3A_265 : vector<16xf32> to vector<1x16xf32>
        tpu.vector_store %arg12[%parallel_loop3A_266, %parallel_loop3A_267], %parallel_loop3A_270 {strides = array<i32>} : memref<128x64xf32, #tpu.memory_space<vmem>>, vector<1x16xf32>,
        %parallel_loop3A_271 = arith.index_cast %parallel_loop3A_225 : i32 to index
        %parallel_loop3A_272 = arith.constant 48 : index
        %parallel_loop3A_273 = tpu.vector_load %arg9[%parallel_loop3A_271, %parallel_loop3A_272] {strides = array<i32>} : memref<128x128xf32, #tpu.memory_space<vmem>>, vector<1x16xf32>,
        %parallel_loop3A_274 = vector.shape_cast %parallel_loop3A_273 : vector<1x16xf32> to vector<16xf32>
        %parallel_loop3A_275 = arith.index_cast %parallel_loop3A_228 : i32 to index
        %parallel_loop3A_276 = arith.constant 48 : index
        %parallel_loop3A_277 = tpu.vector_load %arg7[%parallel_loop3A_275, %parallel_loop3A_276] {strides = array<i32>} : memref<200x128xf32, #tpu.memory_space<vmem>>, vector<1x16xf32>,
        %parallel_loop3A_278 = vector.shape_cast %parallel_loop3A_277 : vector<1x16xf32> to vector<16xf32>
        %parallel_loop3A_279 = arith.addf %parallel_loop3A_274, %parallel_loop3A_278 : vector<16xf32>
        %parallel_loop3A_280 = arith.index_cast %parallel_loop3A_225 : i32 to index
        %parallel_loop3A_281 = arith.constant 48 : index
        %parallel_loop3A_282 = tpu.vector_load %arg12[%parallel_loop3A_280, %parallel_loop3A_281] {strides = array<i32>} : memref<128x64xf32, #tpu.memory_space<vmem>>, vector<1x16xf32>,
        %parallel_loop3A_283 = vector.shape_cast %parallel_loop3A_282 : vector<1x16xf32> to vector<16xf32>
        %parallel_loop3A_284 = vector.shape_cast %parallel_loop3A_279 : vector<16xf32> to vector<1x16xf32>
        tpu.vector_store %arg12[%parallel_loop3A_280, %parallel_loop3A_281], %parallel_loop3A_284 {strides = array<i32>} : memref<128x64xf32, #tpu.memory_space<vmem>>, vector<1x16xf32>,
      } {sc.loop_unroll_factor = 8 : i64, sc.parallel_access}
      %add3A_170 = arith.constant 3 : i32
      %add3A_171 = arith.addi %add3A_152, %add3A_170 : i32
      %lt3A_172 = arith.constant 50 : i32
      %lt3A_173 = arith.cmpi slt, %add3A_171, %lt3A_172 : i32
      %convert_element_type3A_174 = arith.extui %lt3A_173 : i1 to i32
      %cond3A_175 = arith.constant 0 : i32
      %cond3A_176 = arith.cmpi ne, %convert_element_type3A_174, %cond3A_175 : i32
      scf.if %cond3A_176 {
        %add3A_225 = arith.constant 3 : i32
        %add3A_226 = arith.addi %add3A_152, %add3A_225 : i32
        %mul3A_227 = arith.constant 128 : i32
        %mul3A_228 = arith.muli %add3A_226, %mul3A_227 : i32
        %multiple_of3A_229 = tpu.assume_multiple %mul3A_228, 128 : i32
        %dma_start3A_230 = tpu.memref_slice %arg6[%multiple_of3A_229] : memref<6400xi32, #tpu.memory_space<vmem>> -> memref<128xi32, #tpu.memory_space<vmem>>
        %dma_start3A_231 = arith.constant 0 : i32
        %dma_start3A_232 = arith.constant 0 : i32
        %dma_start3A_233 = tpu.memref_slice %arg3[%dma_start3A_231, %dma_start3A_232] : memref<100000x128xf32, #tpu.memory_space<hbm>> -> memref<100000x128xf32, #tpu.memory_space<hbm>>
        tpu.enqueue_indirect_dma source(%dma_start3A_233 : memref<100000x128xf32, #tpu.memory_space<hbm>>) target(%arg9 : memref<128x128xf32, #tpu.memory_space<vmem>>) offsets(%dma_start3A_230 : memref<128xi32, #tpu.memory_space<vmem>>) semaphore(%arg15 : memref<!tpu.dma_semaphore, #tpu.memory_space<semaphore_mem>>)
      } else {
      }
      %mul3A_177 = arith.constant 50 : i32
      %mul3A_178 = arith.muli %add3A, %mul3A_177 : i32
      %add3A_179 = arith.addi %mul3A_178, %add3A_152 : i32
      %dma_start3A_180 = arith.constant 0 : i32
      %dma_start3A_181 = arith.constant 0 : i32
      %dma_start3A_182 = tpu.memref_slice %arg5[%add3A_179, %dma_start3A_180, %dma_start3A_181] : memref<1600x128x64xf32, #tpu.memory_space<hbm>> -> memref<1x128x64xf32, #tpu.memory_space<hbm>>
      %dma_start3A_183 = tpu.memref_squeeze %dma_start3A_182 : memref<1x128x64xf32, #tpu.memory_space<hbm>> -> memref<128x64xf32, #tpu.memory_space<hbm>>
      %dma_start3A_184 = arith.constant 0 : i32
      %dma_start3A_185 = arith.constant 0 : i32
      %dma_start3A_186 = tpu.memref_slice %arg5[%add3A_179, %dma_start3A_184, %dma_start3A_185] : memref<1600x128x64xf32, #tpu.memory_space<hbm>> -> memref<1x128x64xf32, #tpu.memory_space<hbm>>
      %dma_start3A_187 = tpu.memref_squeeze %dma_start3A_186 : memref<1x128x64xf32, #tpu.memory_space<hbm>> -> memref<128x64xf32, #tpu.memory_space<hbm>>
      tpu.enqueue_dma source(%arg12 : memref<128x64xf32, #tpu.memory_space<vmem>>) target(%dma_start3A_187 : memref<128x64xf32, #tpu.memory_space<hbm>>) target_semaphore(%arg18 : memref<!tpu.dma_semaphore, #tpu.memory_space<semaphore_mem>>)
      %add3A_188 = arith.constant 2 : i32
      %add3A_189 = arith.addi %mul3A_117, %add3A_188 : i32
      %dma_wait3A_190 = arith.constant 0 : i32
      %dma_wait3A_191 = tpu.memref_slice %arg6[%dma_wait3A_190] : memref<6400xi32, #tpu.memory_space<vmem>> -> memref<128xi32, #tpu.memory_space<vmem>>
      %dma_wait3A_192 = arith.constant 0 : i32
      %dma_wait3A_193 = arith.constant 0 : i32
      %dma_wait3A_194 = tpu.memref_slice %arg3[%dma_wait3A_192, %dma_wait3A_193] : memref<100000x128xf32, #tpu.memory_space<hbm>> -> memref<100000x128xf32, #tpu.memory_space<hbm>>
      tpu.wait_indirect_dma semaphore(%arg16 : memref<!tpu.dma_semaphore, #tpu.memory_space<semaphore_mem>>) src(%dma_wait3A_194 : memref<100000x128xf32, #tpu.memory_space<hbm>>) dst(%arg10 : memref<128x128xf32, #tpu.memory_space<vmem>>)
      %ge3A_195 = arith.constant 1 : i32
      %ge3A_196 = arith.cmpi sge, %scan3A_115, %ge3A_195 : i32
      %convert_element_type3A_197 = arith.extui %ge3A_196 : i1 to i32
      %cond3A_198 = arith.constant 0 : i32
      %cond3A_199 = arith.cmpi ne, %convert_element_type3A_197, %cond3A_198 : i32
      scf.if %cond3A_199 {
        %dma_wait3A_225 = arith.constant 0 : i32
        %dma_wait3A_226 = arith.constant 0 : i32
        %dma_wait3A_227 = arith.constant 0 : i32
        %dma_wait3A_228 = tpu.memref_slice %arg5[%dma_wait3A_225, %dma_wait3A_226, %dma_wait3A_227] : memref<1600x128x64xf32, #tpu.memory_space<hbm>> -> memref<1x128x64xf32, #tpu.memory_space<hbm>>
        %dma_wait3A_229 = tpu.memref_squeeze %dma_wait3A_228 : memref<1x128x64xf32, #tpu.memory_space<hbm>> -> memref<128x64xf32, #tpu.memory_space<hbm>>
        %dma_wait3A_230 = arith.constant 0 : i32
        %dma_wait3A_231 = arith.constant 0 : i32
        %dma_wait3A_232 = tpu.memref_slice %arg5[%dma_wait3A_225, %dma_wait3A_230, %dma_wait3A_231] : memref<1600x128x64xf32, #tpu.memory_space<hbm>> -> memref<1x128x64xf32, #tpu.memory_space<hbm>>
        %dma_wait3A_233 = tpu.memref_squeeze %dma_wait3A_232 : memref<1x128x64xf32, #tpu.memory_space<hbm>> -> memref<128x64xf32, #tpu.memory_space<hbm>>
        tpu.wait_dma2 semaphore(%arg19 : memref<!tpu.dma_semaphore, #tpu.memory_space<semaphore_mem>>) src(%arg13 : memref<128x64xf32, #tpu.memory_space<vmem>>) dst(%dma_wait3A_233 : memref<128x64xf32, #tpu.memory_space<hbm>>)
      } else {
      }
      %mul3A_200 = arith.constant 128 : i32
      %mul3A_201 = arith.muli %add3A_189, %mul3A_200 : i32
      %add3A_202 = arith.addi %mul3A_4, %mul3A_201 : i32
      %multiple_of3A_203 = tpu.assume_multiple %add3A_202, 128 : i32
      %parallel_loop3A_204 = arith.constant 0 : i32
      %parallel_loop3A_205 = arith.constant 128 : i32
      %parallel_loop3A_206 = arith.constant 1 : i32
      scf.for %parallel_loop3A_225 = %parallel_loop3A_204 to %parallel_loop3A_205 step %parallel_loop3A_206  : i32 {
        %parallel_loop3A_226 = arith.addi %multiple_of3A_203, %parallel_loop3A_225 : i32
        %parallel_loop3A_227 = arith.constant 200 : i32
        %parallel_loop3A_228 = arith.remsi %parallel_loop3A_226, %parallel_loop3A_227 : i32
        %parallel_loop3A_229 = arith.index_cast %parallel_loop3A_225 : i32 to index
        %parallel_loop3A_230 = arith.constant 0 : index
        %parallel_loop3A_231 = tpu.vector_load %arg10[%parallel_loop3A_229, %parallel_loop3A_230] {strides = array<i32>} : memref<128x128xf32, #tpu.memory_space<vmem>>, vector<1x16xf32>,
        %parallel_loop3A_232 = vector.shape_cast %parallel_loop3A_231 : vector<1x16xf32> to vector<16xf32>
        %parallel_loop3A_233 = arith.index_cast %parallel_loop3A_228 : i32 to index
        %parallel_loop3A_234 = arith.constant 0 : index
        %parallel_loop3A_235 = tpu.vector_load %arg7[%parallel_loop3A_233, %parallel_loop3A_234] {strides = array<i32>} : memref<200x128xf32, #tpu.memory_space<vmem>>, vector<1x16xf32>,
        %parallel_loop3A_236 = vector.shape_cast %parallel_loop3A_235 : vector<1x16xf32> to vector<16xf32>
        %parallel_loop3A_237 = arith.addf %parallel_loop3A_232, %parallel_loop3A_236 : vector<16xf32>
        %parallel_loop3A_238 = arith.index_cast %parallel_loop3A_225 : i32 to index
        %parallel_loop3A_239 = arith.constant 0 : index
        %parallel_loop3A_240 = tpu.vector_load %arg13[%parallel_loop3A_238, %parallel_loop3A_239] {strides = array<i32>} : memref<128x64xf32, #tpu.memory_space<vmem>>, vector<1x16xf32>,
        %parallel_loop3A_241 = vector.shape_cast %parallel_loop3A_240 : vector<1x16xf32> to vector<16xf32>
        %parallel_loop3A_242 = vector.shape_cast %parallel_loop3A_237 : vector<16xf32> to vector<1x16xf32>
        tpu.vector_store %arg13[%parallel_loop3A_238, %parallel_loop3A_239], %parallel_loop3A_242 {strides = array<i32>} : memref<128x64xf32, #tpu.memory_space<vmem>>, vector<1x16xf32>,
        %parallel_loop3A_243 = arith.index_cast %parallel_loop3A_225 : i32 to index
        %parallel_loop3A_244 = arith.constant 16 : index
        %parallel_loop3A_245 = tpu.vector_load %arg10[%parallel_loop3A_243, %parallel_loop3A_244] {strides = array<i32>} : memref<128x128xf32, #tpu.memory_space<vmem>>, vector<1x16xf32>,
        %parallel_loop3A_246 = vector.shape_cast %parallel_loop3A_245 : vector<1x16xf32> to vector<16xf32>
        %parallel_loop3A_247 = arith.index_cast %parallel_loop3A_228 : i32 to index
        %parallel_loop3A_248 = arith.constant 16 : index
        %parallel_loop3A_249 = tpu.vector_load %arg7[%parallel_loop3A_247, %parallel_loop3A_248] {strides = array<i32>} : memref<200x128xf32, #tpu.memory_space<vmem>>, vector<1x16xf32>,
        %parallel_loop3A_250 = vector.shape_cast %parallel_loop3A_249 : vector<1x16xf32> to vector<16xf32>
        %parallel_loop3A_251 = arith.addf %parallel_loop3A_246, %parallel_loop3A_250 : vector<16xf32>
        %parallel_loop3A_252 = arith.index_cast %parallel_loop3A_225 : i32 to index
        %parallel_loop3A_253 = arith.constant 16 : index
        %parallel_loop3A_254 = tpu.vector_load %arg13[%parallel_loop3A_252, %parallel_loop3A_253] {strides = array<i32>} : memref<128x64xf32, #tpu.memory_space<vmem>>, vector<1x16xf32>,
        %parallel_loop3A_255 = vector.shape_cast %parallel_loop3A_254 : vector<1x16xf32> to vector<16xf32>
        %parallel_loop3A_256 = vector.shape_cast %parallel_loop3A_251 : vector<16xf32> to vector<1x16xf32>
        tpu.vector_store %arg13[%parallel_loop3A_252, %parallel_loop3A_253], %parallel_loop3A_256 {strides = array<i32>} : memref<128x64xf32, #tpu.memory_space<vmem>>, vector<1x16xf32>,
        %parallel_loop3A_257 = arith.index_cast %parallel_loop3A_225 : i32 to index
        %parallel_loop3A_258 = arith.constant 32 : index
        %parallel_loop3A_259 = tpu.vector_load %arg10[%parallel_loop3A_257, %parallel_loop3A_258] {strides = array<i32>} : memref<128x128xf32, #tpu.memory_space<vmem>>, vector<1x16xf32>,
        %parallel_loop3A_260 = vector.shape_cast %parallel_loop3A_259 : vector<1x16xf32> to vector<16xf32>
        %parallel_loop3A_261 = arith.index_cast %parallel_loop3A_228 : i32 to index
        %parallel_loop3A_262 = arith.constant 32 : index
        %parallel_loop3A_263 = tpu.vector_load %arg7[%parallel_loop3A_261, %parallel_loop3A_262] {strides = array<i32>} : memref<200x128xf32, #tpu.memory_space<vmem>>, vector<1x16xf32>,
        %parallel_loop3A_264 = vector.shape_cast %parallel_loop3A_263 : vector<1x16xf32> to vector<16xf32>
        %parallel_loop3A_265 = arith.addf %parallel_loop3A_260, %parallel_loop3A_264 : vector<16xf32>
        %parallel_loop3A_266 = arith.index_cast %parallel_loop3A_225 : i32 to index
        %parallel_loop3A_267 = arith.constant 32 : index
        %parallel_loop3A_268 = tpu.vector_load %arg13[%parallel_loop3A_266, %parallel_loop3A_267] {strides = array<i32>} : memref<128x64xf32, #tpu.memory_space<vmem>>, vector<1x16xf32>,
        %parallel_loop3A_269 = vector.shape_cast %parallel_loop3A_268 : vector<1x16xf32> to vector<16xf32>
        %parallel_loop3A_270 = vector.shape_cast %parallel_loop3A_265 : vector<16xf32> to vector<1x16xf32>
        tpu.vector_store %arg13[%parallel_loop3A_266, %parallel_loop3A_267], %parallel_loop3A_270 {strides = array<i32>} : memref<128x64xf32, #tpu.memory_space<vmem>>, vector<1x16xf32>,
        %parallel_loop3A_271 = arith.index_cast %parallel_loop3A_225 : i32 to index
        %parallel_loop3A_272 = arith.constant 48 : index
        %parallel_loop3A_273 = tpu.vector_load %arg10[%parallel_loop3A_271, %parallel_loop3A_272] {strides = array<i32>} : memref<128x128xf32, #tpu.memory_space<vmem>>, vector<1x16xf32>,
        %parallel_loop3A_274 = vector.shape_cast %parallel_loop3A_273 : vector<1x16xf32> to vector<16xf32>
        %parallel_loop3A_275 = arith.index_cast %parallel_loop3A_228 : i32 to index
        %parallel_loop3A_276 = arith.constant 48 : index
        %parallel_loop3A_277 = tpu.vector_load %arg7[%parallel_loop3A_275, %parallel_loop3A_276] {strides = array<i32>} : memref<200x128xf32, #tpu.memory_space<vmem>>, vector<1x16xf32>,
        %parallel_loop3A_278 = vector.shape_cast %parallel_loop3A_277 : vector<1x16xf32> to vector<16xf32>
        %parallel_loop3A_279 = arith.addf %parallel_loop3A_274, %parallel_loop3A_278 : vector<16xf32>
        %parallel_loop3A_280 = arith.index_cast %parallel_loop3A_225 : i32 to index
        %parallel_loop3A_281 = arith.constant 48 : index
        %parallel_loop3A_282 = tpu.vector_load %arg13[%parallel_loop3A_280, %parallel_loop3A_281] {strides = array<i32>} : memref<128x64xf32, #tpu.memory_space<vmem>>, vector<1x16xf32>,
        %parallel_loop3A_283 = vector.shape_cast %parallel_loop3A_282 : vector<1x16xf32> to vector<16xf32>
        %parallel_loop3A_284 = vector.shape_cast %parallel_loop3A_279 : vector<16xf32> to vector<1x16xf32>
        tpu.vector_store %arg13[%parallel_loop3A_280, %parallel_loop3A_281], %parallel_loop3A_284 {strides = array<i32>} : memref<128x64xf32, #tpu.memory_space<vmem>>, vector<1x16xf32>,
      } {sc.loop_unroll_factor = 8 : i64, sc.parallel_access}
      %add3A_207 = arith.constant 3 : i32
      %add3A_208 = arith.addi %add3A_189, %add3A_207 : i32
      %lt3A_209 = arith.constant 50 : i32
      %lt3A_210 = arith.cmpi slt, %add3A_208, %lt3A_209 : i32
      %convert_element_type3A_211 = arith.extui %lt3A_210 : i1 to i32
      %cond3A_212 = arith.constant 0 : i32
      %cond3A_213 = arith.cmpi ne, %convert_element_type3A_211, %cond3A_212 : i32
      scf.if %cond3A_213 {
        %add3A_225 = arith.constant 3 : i32
        %add3A_226 = arith.addi %add3A_189, %add3A_225 : i32
        %mul3A_227 = arith.constant 128 : i32
        %mul3A_228 = arith.muli %add3A_226, %mul3A_227 : i32
        %multiple_of3A_229 = tpu.assume_multiple %mul3A_228, 128 : i32
        %dma_start3A_230 = tpu.memref_slice %arg6[%multiple_of3A_229] : memref<6400xi32, #tpu.memory_space<vmem>> -> memref<128xi32, #tpu.memory_space<vmem>>
        %dma_start3A_231 = arith.constant 0 : i32
        %dma_start3A_232 = arith.constant 0 : i32
        %dma_start3A_233 = tpu.memref_slice %arg3[%dma_start3A_231, %dma_start3A_232] : memref<100000x128xf32, #tpu.memory_space<hbm>> -> memref<100000x128xf32, #tpu.memory_space<hbm>>
        tpu.enqueue_indirect_dma source(%dma_start3A_233 : memref<100000x128xf32, #tpu.memory_space<hbm>>) target(%arg10 : memref<128x128xf32, #tpu.memory_space<vmem>>) offsets(%dma_start3A_230 : memref<128xi32, #tpu.memory_space<vmem>>) semaphore(%arg16 : memref<!tpu.dma_semaphore, #tpu.memory_space<semaphore_mem>>)
      } else {
      }
      %mul3A_214 = arith.constant 50 : i32
      %mul3A_215 = arith.muli %add3A, %mul3A_214 : i32
      %add3A_216 = arith.addi %mul3A_215, %add3A_189 : i32
      %dma_start3A_217 = arith.constant 0 : i32
      %dma_start3A_218 = arith.constant 0 : i32
      %dma_start3A_219 = tpu.memref_slice %arg5[%add3A_216, %dma_start3A_217, %dma_start3A_218] : memref<1600x128x64xf32, #tpu.memory_space<hbm>> -> memref<1x128x64xf32, #tpu.memory_space<hbm>>
      %dma_start3A_220 = tpu.memref_squeeze %dma_start3A_219 : memref<1x128x64xf32, #tpu.memory_space<hbm>> -> memref<128x64xf32, #tpu.memory_space<hbm>>
      %dma_start3A_221 = arith.constant 0 : i32
      %dma_start3A_222 = arith.constant 0 : i32
      %dma_start3A_223 = tpu.memref_slice %arg5[%add3A_216, %dma_start3A_221, %dma_start3A_222] : memref<1600x128x64xf32, #tpu.memory_space<hbm>> -> memref<1x128x64xf32, #tpu.memory_space<hbm>>
      %dma_start3A_224 = tpu.memref_squeeze %dma_start3A_223 : memref<1x128x64xf32, #tpu.memory_space<hbm>> -> memref<128x64xf32, #tpu.memory_space<hbm>>
      tpu.enqueue_dma source(%arg13 : memref<128x64xf32, #tpu.memory_space<vmem>>) target(%dma_start3A_224 : memref<128x64xf32, #tpu.memory_space<hbm>>) target_semaphore(%arg19 : memref<!tpu.dma_semaphore, #tpu.memory_space<semaphore_mem>>)
    }
    %scan3A_25 = arith.constant 16 : i32
    %dma_wait3A = arith.constant 0 : i32
    %dma_wait3A_26 = tpu.memref_slice %arg6[%dma_wait3A] : memref<6400xi32, #tpu.memory_space<vmem>> -> memref<128xi32, #tpu.memory_space<vmem>>
    %dma_wait3A_27 = arith.constant 0 : i32
    %dma_wait3A_28 = arith.constant 0 : i32
    %dma_wait3A_29 = tpu.memref_slice %arg3[%dma_wait3A_27, %dma_wait3A_28] : memref<100000x128xf32, #tpu.memory_space<hbm>> -> memref<100000x128xf32, #tpu.memory_space<hbm>>
    tpu.wait_indirect_dma semaphore(%arg14 : memref<!tpu.dma_semaphore, #tpu.memory_space<semaphore_mem>>) src(%dma_wait3A_29 : memref<100000x128xf32, #tpu.memory_space<hbm>>) dst(%arg8 : memref<128x128xf32, #tpu.memory_space<vmem>>)
    %dma_wait3A_30 = arith.constant 0 : i32
    %dma_wait3A_31 = arith.constant 0 : i32
    %dma_wait3A_32 = arith.constant 0 : i32
    %dma_wait3A_33 = tpu.memref_slice %arg5[%dma_wait3A_30, %dma_wait3A_31, %dma_wait3A_32] : memref<1600x128x64xf32, #tpu.memory_space<hbm>> -> memref<1x128x64xf32, #tpu.memory_space<hbm>>
    %dma_wait3A_34 = tpu.memref_squeeze %dma_wait3A_33 : memref<1x128x64xf32, #tpu.memory_space<hbm>> -> memref<128x64xf32, #tpu.memory_space<hbm>>
    %dma_wait3A_35 = arith.constant 0 : i32
    %dma_wait3A_36 = arith.constant 0 : i32
    %dma_wait3A_37 = tpu.memref_slice %arg5[%dma_wait3A_30, %dma_wait3A_35, %dma_wait3A_36] : memref<1600x128x64xf32, #tpu.memory_space<hbm>> -> memref<1x128x64xf32, #tpu.memory_space<hbm>>
    %dma_wait3A_38 = tpu.memref_squeeze %dma_wait3A_37 : memref<1x128x64xf32, #tpu.memory_space<hbm>> -> memref<128x64xf32, #tpu.memory_space<hbm>>
    tpu.wait_dma2 semaphore(%arg17 : memref<!tpu.dma_semaphore, #tpu.memory_space<semaphore_mem>>) src(%arg11 : memref<128x64xf32, #tpu.memory_space<vmem>>) dst(%dma_wait3A_38 : memref<128x64xf32, #tpu.memory_space<hbm>>)
    %add3A_39 = arith.constant 6144 : i32
    %add3A_40 = arith.addi %mul3A_4, %add3A_39 : i32
    %multiple_of3A_41 = tpu.assume_multiple %add3A_40, 128 : i32
    %parallel_loop3A = arith.constant 0 : i32
    %parallel_loop3A_42 = arith.constant 128 : i32
    %parallel_loop3A_43 = arith.constant 1 : i32
    scf.for %parallel_loop3A_115 = %parallel_loop3A to %parallel_loop3A_42 step %parallel_loop3A_43  : i32 {
      %parallel_loop3A_116 = arith.addi %multiple_of3A_41, %parallel_loop3A_115 : i32
      %parallel_loop3A_117 = arith.constant 200 : i32
      %parallel_loop3A_118 = arith.remsi %parallel_loop3A_116, %parallel_loop3A_117 : i32
      %parallel_loop3A_119 = arith.index_cast %parallel_loop3A_115 : i32 to index
      %parallel_loop3A_120 = arith.constant 0 : index
      %parallel_loop3A_121 = tpu.vector_load %arg8[%parallel_loop3A_119, %parallel_loop3A_120] {strides = array<i32>} : memref<128x128xf32, #tpu.memory_space<vmem>>, vector<1x16xf32>,
      %parallel_loop3A_122 = vector.shape_cast %parallel_loop3A_121 : vector<1x16xf32> to vector<16xf32>
      %parallel_loop3A_123 = arith.index_cast %parallel_loop3A_118 : i32 to index
      %parallel_loop3A_124 = arith.constant 0 : index
      %parallel_loop3A_125 = tpu.vector_load %arg7[%parallel_loop3A_123, %parallel_loop3A_124] {strides = array<i32>} : memref<200x128xf32, #tpu.memory_space<vmem>>, vector<1x16xf32>,
      %parallel_loop3A_126 = vector.shape_cast %parallel_loop3A_125 : vector<1x16xf32> to vector<16xf32>
      %parallel_loop3A_127 = arith.addf %parallel_loop3A_122, %parallel_loop3A_126 : vector<16xf32>
      %parallel_loop3A_128 = arith.index_cast %parallel_loop3A_115 : i32 to index
      %parallel_loop3A_129 = arith.constant 0 : index
      %parallel_loop3A_130 = tpu.vector_load %arg11[%parallel_loop3A_128, %parallel_loop3A_129] {strides = array<i32>} : memref<128x64xf32, #tpu.memory_space<vmem>>, vector<1x16xf32>,
      %parallel_loop3A_131 = vector.shape_cast %parallel_loop3A_130 : vector<1x16xf32> to vector<16xf32>
      %parallel_loop3A_132 = vector.shape_cast %parallel_loop3A_127 : vector<16xf32> to vector<1x16xf32>
      tpu.vector_store %arg11[%parallel_loop3A_128, %parallel_loop3A_129], %parallel_loop3A_132 {strides = array<i32>} : memref<128x64xf32, #tpu.memory_space<vmem>>, vector<1x16xf32>,
      %parallel_loop3A_133 = arith.index_cast %parallel_loop3A_115 : i32 to index
      %parallel_loop3A_134 = arith.constant 16 : index
      %parallel_loop3A_135 = tpu.vector_load %arg8[%parallel_loop3A_133, %parallel_loop3A_134] {strides = array<i32>} : memref<128x128xf32, #tpu.memory_space<vmem>>, vector<1x16xf32>,
      %parallel_loop3A_136 = vector.shape_cast %parallel_loop3A_135 : vector<1x16xf32> to vector<16xf32>
      %parallel_loop3A_137 = arith.index_cast %parallel_loop3A_118 : i32 to index
      %parallel_loop3A_138 = arith.constant 16 : index
      %parallel_loop3A_139 = tpu.vector_load %arg7[%parallel_loop3A_137, %parallel_loop3A_138] {strides = array<i32>} : memref<200x128xf32, #tpu.memory_space<vmem>>, vector<1x16xf32>,
      %parallel_loop3A_140 = vector.shape_cast %parallel_loop3A_139 : vector<1x16xf32> to vector<16xf32>
      %parallel_loop3A_141 = arith.addf %parallel_loop3A_136, %parallel_loop3A_140 : vector<16xf32>
      %parallel_loop3A_142 = arith.index_cast %parallel_loop3A_115 : i32 to index
      %parallel_loop3A_143 = arith.constant 16 : index
      %parallel_loop3A_144 = tpu.vector_load %arg11[%parallel_loop3A_142, %parallel_loop3A_143] {strides = array<i32>} : memref<128x64xf32, #tpu.memory_space<vmem>>, vector<1x16xf32>,
      %parallel_loop3A_145 = vector.shape_cast %parallel_loop3A_144 : vector<1x16xf32> to vector<16xf32>
      %parallel_loop3A_146 = vector.shape_cast %parallel_loop3A_141 : vector<16xf32> to vector<1x16xf32>
      tpu.vector_store %arg11[%parallel_loop3A_142, %parallel_loop3A_143], %parallel_loop3A_146 {strides = array<i32>} : memref<128x64xf32, #tpu.memory_space<vmem>>, vector<1x16xf32>,
      %parallel_loop3A_147 = arith.index_cast %parallel_loop3A_115 : i32 to index
      %parallel_loop3A_148 = arith.constant 32 : index
      %parallel_loop3A_149 = tpu.vector_load %arg8[%parallel_loop3A_147, %parallel_loop3A_148] {strides = array<i32>} : memref<128x128xf32, #tpu.memory_space<vmem>>, vector<1x16xf32>,
      %parallel_loop3A_150 = vector.shape_cast %parallel_loop3A_149 : vector<1x16xf32> to vector<16xf32>
      %parallel_loop3A_151 = arith.index_cast %parallel_loop3A_118 : i32 to index
      %parallel_loop3A_152 = arith.constant 32 : index
      %parallel_loop3A_153 = tpu.vector_load %arg7[%parallel_loop3A_151, %parallel_loop3A_152] {strides = array<i32>} : memref<200x128xf32, #tpu.memory_space<vmem>>, vector<1x16xf32>,
      %parallel_loop3A_154 = vector.shape_cast %parallel_loop3A_153 : vector<1x16xf32> to vector<16xf32>
      %parallel_loop3A_155 = arith.addf %parallel_loop3A_150, %parallel_loop3A_154 : vector<16xf32>
      %parallel_loop3A_156 = arith.index_cast %parallel_loop3A_115 : i32 to index
      %parallel_loop3A_157 = arith.constant 32 : index
      %parallel_loop3A_158 = tpu.vector_load %arg11[%parallel_loop3A_156, %parallel_loop3A_157] {strides = array<i32>} : memref<128x64xf32, #tpu.memory_space<vmem>>, vector<1x16xf32>,
      %parallel_loop3A_159 = vector.shape_cast %parallel_loop3A_158 : vector<1x16xf32> to vector<16xf32>
      %parallel_loop3A_160 = vector.shape_cast %parallel_loop3A_155 : vector<16xf32> to vector<1x16xf32>
      tpu.vector_store %arg11[%parallel_loop3A_156, %parallel_loop3A_157], %parallel_loop3A_160 {strides = array<i32>} : memref<128x64xf32, #tpu.memory_space<vmem>>, vector<1x16xf32>,
      %parallel_loop3A_161 = arith.index_cast %parallel_loop3A_115 : i32 to index
      %parallel_loop3A_162 = arith.constant 48 : index
      %parallel_loop3A_163 = tpu.vector_load %arg8[%parallel_loop3A_161, %parallel_loop3A_162] {strides = array<i32>} : memref<128x128xf32, #tpu.memory_space<vmem>>, vector<1x16xf32>,
      %parallel_loop3A_164 = vector.shape_cast %parallel_loop3A_163 : vector<1x16xf32> to vector<16xf32>
      %parallel_loop3A_165 = arith.index_cast %parallel_loop3A_118 : i32 to index
      %parallel_loop3A_166 = arith.constant 48 : index
      %parallel_loop3A_167 = tpu.vector_load %arg7[%parallel_loop3A_165, %parallel_loop3A_166] {strides = array<i32>} : memref<200x128xf32, #tpu.memory_space<vmem>>, vector<1x16xf32>,
      %parallel_loop3A_168 = vector.shape_cast %parallel_loop3A_167 : vector<1x16xf32> to vector<16xf32>
      %parallel_loop3A_169 = arith.addf %parallel_loop3A_164, %parallel_loop3A_168 : vector<16xf32>
      %parallel_loop3A_170 = arith.index_cast %parallel_loop3A_115 : i32 to index
      %parallel_loop3A_171 = arith.constant 48 : index
      %parallel_loop3A_172 = tpu.vector_load %arg11[%parallel_loop3A_170, %parallel_loop3A_171] {strides = array<i32>} : memref<128x64xf32, #tpu.memory_space<vmem>>, vector<1x16xf32>,
      %parallel_loop3A_173 = vector.shape_cast %parallel_loop3A_172 : vector<1x16xf32> to vector<16xf32>
      %parallel_loop3A_174 = vector.shape_cast %parallel_loop3A_169 : vector<16xf32> to vector<1x16xf32>
      tpu.vector_store %arg11[%parallel_loop3A_170, %parallel_loop3A_171], %parallel_loop3A_174 {strides = array<i32>} : memref<128x64xf32, #tpu.memory_space<vmem>>, vector<1x16xf32>,
    } {sc.loop_unroll_factor = 8 : i64, sc.parallel_access}
    %mul3A_44 = arith.constant 50 : i32
    %mul3A_45 = arith.muli %add3A, %mul3A_44 : i32
    %add3A_46 = arith.constant 48 : i32
    %add3A_47 = arith.addi %mul3A_45, %add3A_46 : i32
    %dma_start3A_48 = arith.constant 0 : i32
    %dma_start3A_49 = arith.constant 0 : i32
    %dma_start3A_50 = tpu.memref_slice %arg5[%add3A_47, %dma_start3A_48, %dma_start3A_49] : memref<1600x128x64xf32, #tpu.memory_space<hbm>> -> memref<1x128x64xf32, #tpu.memory_space<hbm>>
    %dma_start3A_51 = tpu.memref_squeeze %dma_start3A_50 : memref<1x128x64xf32, #tpu.memory_space<hbm>> -> memref<128x64xf32, #tpu.memory_space<hbm>>
    %dma_start3A_52 = arith.constant 0 : i32
    %dma_start3A_53 = arith.constant 0 : i32
    %dma_start3A_54 = tpu.memref_slice %arg5[%add3A_47, %dma_start3A_52, %dma_start3A_53] : memref<1600x128x64xf32, #tpu.memory_space<hbm>> -> memref<1x128x64xf32, #tpu.memory_space<hbm>>
    %dma_start3A_55 = tpu.memref_squeeze %dma_start3A_54 : memref<1x128x64xf32, #tpu.memory_space<hbm>> -> memref<128x64xf32, #tpu.memory_space<hbm>>
    tpu.enqueue_dma source(%arg11 : memref<128x64xf32, #tpu.memory_space<vmem>>) target(%dma_start3A_55 : memref<128x64xf32, #tpu.memory_space<hbm>>) target_semaphore(%arg17 : memref<!tpu.dma_semaphore, #tpu.memory_space<semaphore_mem>>)
    %dma_wait3A_56 = arith.constant 0 : i32
    %dma_wait3A_57 = tpu.memref_slice %arg6[%dma_wait3A_56] : memref<6400xi32, #tpu.memory_space<vmem>> -> memref<128xi32, #tpu.memory_space<vmem>>
    %dma_wait3A_58 = arith.constant 0 : i32
    %dma_wait3A_59 = arith.constant 0 : i32
    %dma_wait3A_60 = tpu.memref_slice %arg3[%dma_wait3A_58, %dma_wait3A_59] : memref<100000x128xf32, #tpu.memory_space<hbm>> -> memref<100000x128xf32, #tpu.memory_space<hbm>>
    tpu.wait_indirect_dma semaphore(%arg15 : memref<!tpu.dma_semaphore, #tpu.memory_space<semaphore_mem>>) src(%dma_wait3A_60 : memref<100000x128xf32, #tpu.memory_space<hbm>>) dst(%arg9 : memref<128x128xf32, #tpu.memory_space<vmem>>)
    %dma_wait3A_61 = arith.constant 0 : i32
    %dma_wait3A_62 = arith.constant 0 : i32
    %dma_wait3A_63 = arith.constant 0 : i32
    %dma_wait3A_64 = tpu.memref_slice %arg5[%dma_wait3A_61, %dma_wait3A_62, %dma_wait3A_63] : memref<1600x128x64xf32, #tpu.memory_space<hbm>> -> memref<1x128x64xf32, #tpu.memory_space<hbm>>
    %dma_wait3A_65 = tpu.memref_squeeze %dma_wait3A_64 : memref<1x128x64xf32, #tpu.memory_space<hbm>> -> memref<128x64xf32, #tpu.memory_space<hbm>>
    %dma_wait3A_66 = arith.constant 0 : i32
    %dma_wait3A_67 = arith.constant 0 : i32
    %dma_wait3A_68 = tpu.memref_slice %arg5[%dma_wait3A_61, %dma_wait3A_66, %dma_wait3A_67] : memref<1600x128x64xf32, #tpu.memory_space<hbm>> -> memref<1x128x64xf32, #tpu.memory_space<hbm>>
    %dma_wait3A_69 = tpu.memref_squeeze %dma_wait3A_68 : memref<1x128x64xf32, #tpu.memory_space<hbm>> -> memref<128x64xf32, #tpu.memory_space<hbm>>
    tpu.wait_dma2 semaphore(%arg18 : memref<!tpu.dma_semaphore, #tpu.memory_space<semaphore_mem>>) src(%arg12 : memref<128x64xf32, #tpu.memory_space<vmem>>) dst(%dma_wait3A_69 : memref<128x64xf32, #tpu.memory_space<hbm>>)
    %add3A_70 = arith.constant 6272 : i32
    %add3A_71 = arith.addi %mul3A_4, %add3A_70 : i32
    %multiple_of3A_72 = tpu.assume_multiple %add3A_71, 128 : i32
    %parallel_loop3A_73 = arith.constant 0 : i32
    %parallel_loop3A_74 = arith.constant 128 : i32
    %parallel_loop3A_75 = arith.constant 1 : i32
    scf.for %parallel_loop3A_115 = %parallel_loop3A_73 to %parallel_loop3A_74 step %parallel_loop3A_75  : i32 {
      %parallel_loop3A_116 = arith.addi %multiple_of3A_72, %parallel_loop3A_115 : i32
      %parallel_loop3A_117 = arith.constant 200 : i32
      %parallel_loop3A_118 = arith.remsi %parallel_loop3A_116, %parallel_loop3A_117 : i32
      %parallel_loop3A_119 = arith.index_cast %parallel_loop3A_115 : i32 to index
      %parallel_loop3A_120 = arith.constant 0 : index
      %parallel_loop3A_121 = tpu.vector_load %arg9[%parallel_loop3A_119, %parallel_loop3A_120] {strides = array<i32>} : memref<128x128xf32, #tpu.memory_space<vmem>>, vector<1x16xf32>,
      %parallel_loop3A_122 = vector.shape_cast %parallel_loop3A_121 : vector<1x16xf32> to vector<16xf32>
      %parallel_loop3A_123 = arith.index_cast %parallel_loop3A_118 : i32 to index
      %parallel_loop3A_124 = arith.constant 0 : index
      %parallel_loop3A_125 = tpu.vector_load %arg7[%parallel_loop3A_123, %parallel_loop3A_124] {strides = array<i32>} : memref<200x128xf32, #tpu.memory_space<vmem>>, vector<1x16xf32>,
      %parallel_loop3A_126 = vector.shape_cast %parallel_loop3A_125 : vector<1x16xf32> to vector<16xf32>
      %parallel_loop3A_127 = arith.addf %parallel_loop3A_122, %parallel_loop3A_126 : vector<16xf32>
      %parallel_loop3A_128 = arith.index_cast %parallel_loop3A_115 : i32 to index
      %parallel_loop3A_129 = arith.constant 0 : index
      %parallel_loop3A_130 = tpu.vector_load %arg12[%parallel_loop3A_128, %parallel_loop3A_129] {strides = array<i32>} : memref<128x64xf32, #tpu.memory_space<vmem>>, vector<1x16xf32>,
      %parallel_loop3A_131 = vector.shape_cast %parallel_loop3A_130 : vector<1x16xf32> to vector<16xf32>
      %parallel_loop3A_132 = vector.shape_cast %parallel_loop3A_127 : vector<16xf32> to vector<1x16xf32>
      tpu.vector_store %arg12[%parallel_loop3A_128, %parallel_loop3A_129], %parallel_loop3A_132 {strides = array<i32>} : memref<128x64xf32, #tpu.memory_space<vmem>>, vector<1x16xf32>,
      %parallel_loop3A_133 = arith.index_cast %parallel_loop3A_115 : i32 to index
      %parallel_loop3A_134 = arith.constant 16 : index
      %parallel_loop3A_135 = tpu.vector_load %arg9[%parallel_loop3A_133, %parallel_loop3A_134] {strides = array<i32>} : memref<128x128xf32, #tpu.memory_space<vmem>>, vector<1x16xf32>,
      %parallel_loop3A_136 = vector.shape_cast %parallel_loop3A_135 : vector<1x16xf32> to vector<16xf32>
      %parallel_loop3A_137 = arith.index_cast %parallel_loop3A_118 : i32 to index
      %parallel_loop3A_138 = arith.constant 16 : index
      %parallel_loop3A_139 = tpu.vector_load %arg7[%parallel_loop3A_137, %parallel_loop3A_138] {strides = array<i32>} : memref<200x128xf32, #tpu.memory_space<vmem>>, vector<1x16xf32>,
      %parallel_loop3A_140 = vector.shape_cast %parallel_loop3A_139 : vector<1x16xf32> to vector<16xf32>
      %parallel_loop3A_141 = arith.addf %parallel_loop3A_136, %parallel_loop3A_140 : vector<16xf32>
      %parallel_loop3A_142 = arith.index_cast %parallel_loop3A_115 : i32 to index
      %parallel_loop3A_143 = arith.constant 16 : index
      %parallel_loop3A_144 = tpu.vector_load %arg12[%parallel_loop3A_142, %parallel_loop3A_143] {strides = array<i32>} : memref<128x64xf32, #tpu.memory_space<vmem>>, vector<1x16xf32>,
      %parallel_loop3A_145 = vector.shape_cast %parallel_loop3A_144 : vector<1x16xf32> to vector<16xf32>
      %parallel_loop3A_146 = vector.shape_cast %parallel_loop3A_141 : vector<16xf32> to vector<1x16xf32>
      tpu.vector_store %arg12[%parallel_loop3A_142, %parallel_loop3A_143], %parallel_loop3A_146 {strides = array<i32>} : memref<128x64xf32, #tpu.memory_space<vmem>>, vector<1x16xf32>,
      %parallel_loop3A_147 = arith.index_cast %parallel_loop3A_115 : i32 to index
      %parallel_loop3A_148 = arith.constant 32 : index
      %parallel_loop3A_149 = tpu.vector_load %arg9[%parallel_loop3A_147, %parallel_loop3A_148] {strides = array<i32>} : memref<128x128xf32, #tpu.memory_space<vmem>>, vector<1x16xf32>,
      %parallel_loop3A_150 = vector.shape_cast %parallel_loop3A_149 : vector<1x16xf32> to vector<16xf32>
      %parallel_loop3A_151 = arith.index_cast %parallel_loop3A_118 : i32 to index
      %parallel_loop3A_152 = arith.constant 32 : index
      %parallel_loop3A_153 = tpu.vector_load %arg7[%parallel_loop3A_151, %parallel_loop3A_152] {strides = array<i32>} : memref<200x128xf32, #tpu.memory_space<vmem>>, vector<1x16xf32>,
      %parallel_loop3A_154 = vector.shape_cast %parallel_loop3A_153 : vector<1x16xf32> to vector<16xf32>
      %parallel_loop3A_155 = arith.addf %parallel_loop3A_150, %parallel_loop3A_154 : vector<16xf32>
      %parallel_loop3A_156 = arith.index_cast %parallel_loop3A_115 : i32 to index
      %parallel_loop3A_157 = arith.constant 32 : index
      %parallel_loop3A_158 = tpu.vector_load %arg12[%parallel_loop3A_156, %parallel_loop3A_157] {strides = array<i32>} : memref<128x64xf32, #tpu.memory_space<vmem>>, vector<1x16xf32>,
      %parallel_loop3A_159 = vector.shape_cast %parallel_loop3A_158 : vector<1x16xf32> to vector<16xf32>
      %parallel_loop3A_160 = vector.shape_cast %parallel_loop3A_155 : vector<16xf32> to vector<1x16xf32>
      tpu.vector_store %arg12[%parallel_loop3A_156, %parallel_loop3A_157], %parallel_loop3A_160 {strides = array<i32>} : memref<128x64xf32, #tpu.memory_space<vmem>>, vector<1x16xf32>,
      %parallel_loop3A_161 = arith.index_cast %parallel_loop3A_115 : i32 to index
      %parallel_loop3A_162 = arith.constant 48 : index
      %parallel_loop3A_163 = tpu.vector_load %arg9[%parallel_loop3A_161, %parallel_loop3A_162] {strides = array<i32>} : memref<128x128xf32, #tpu.memory_space<vmem>>, vector<1x16xf32>,
      %parallel_loop3A_164 = vector.shape_cast %parallel_loop3A_163 : vector<1x16xf32> to vector<16xf32>
      %parallel_loop3A_165 = arith.index_cast %parallel_loop3A_118 : i32 to index
      %parallel_loop3A_166 = arith.constant 48 : index
      %parallel_loop3A_167 = tpu.vector_load %arg7[%parallel_loop3A_165, %parallel_loop3A_166] {strides = array<i32>} : memref<200x128xf32, #tpu.memory_space<vmem>>, vector<1x16xf32>,
      %parallel_loop3A_168 = vector.shape_cast %parallel_loop3A_167 : vector<1x16xf32> to vector<16xf32>
      %parallel_loop3A_169 = arith.addf %parallel_loop3A_164, %parallel_loop3A_168 : vector<16xf32>
      %parallel_loop3A_170 = arith.index_cast %parallel_loop3A_115 : i32 to index
      %parallel_loop3A_171 = arith.constant 48 : index
      %parallel_loop3A_172 = tpu.vector_load %arg12[%parallel_loop3A_170, %parallel_loop3A_171] {strides = array<i32>} : memref<128x64xf32, #tpu.memory_space<vmem>>, vector<1x16xf32>,
      %parallel_loop3A_173 = vector.shape_cast %parallel_loop3A_172 : vector<1x16xf32> to vector<16xf32>
      %parallel_loop3A_174 = vector.shape_cast %parallel_loop3A_169 : vector<16xf32> to vector<1x16xf32>
      tpu.vector_store %arg12[%parallel_loop3A_170, %parallel_loop3A_171], %parallel_loop3A_174 {strides = array<i32>} : memref<128x64xf32, #tpu.memory_space<vmem>>, vector<1x16xf32>,
    } {sc.loop_unroll_factor = 8 : i64, sc.parallel_access}
    %mul3A_76 = arith.constant 50 : i32
    %mul3A_77 = arith.muli %add3A, %mul3A_76 : i32
    %add3A_78 = arith.constant 49 : i32
    %add3A_79 = arith.addi %mul3A_77, %add3A_78 : i32
    %dma_start3A_80 = arith.constant 0 : i32
    %dma_start3A_81 = arith.constant 0 : i32
    %dma_start3A_82 = tpu.memref_slice %arg5[%add3A_79, %dma_start3A_80, %dma_start3A_81] : memref<1600x128x64xf32, #tpu.memory_space<hbm>> -> memref<1x128x64xf32, #tpu.memory_space<hbm>>
    %dma_start3A_83 = tpu.memref_squeeze %dma_start3A_82 : memref<1x128x64xf32, #tpu.memory_space<hbm>> -> memref<128x64xf32, #tpu.memory_space<hbm>>
    %dma_start3A_84 = arith.constant 0 : i32
    %dma_start3A_85 = arith.constant 0 : i32
    %dma_start3A_86 = tpu.memref_slice %arg5[%add3A_79, %dma_start3A_84, %dma_start3A_85] : memref<1600x128x64xf32, #tpu.memory_space<hbm>> -> memref<1x128x64xf32, #tpu.memory_space<hbm>>
    %dma_start3A_87 = tpu.memref_squeeze %dma_start3A_86 : memref<1x128x64xf32, #tpu.memory_space<hbm>> -> memref<128x64xf32, #tpu.memory_space<hbm>>
    tpu.enqueue_dma source(%arg12 : memref<128x64xf32, #tpu.memory_space<vmem>>) target(%dma_start3A_87 : memref<128x64xf32, #tpu.memory_space<hbm>>) target_semaphore(%arg18 : memref<!tpu.dma_semaphore, #tpu.memory_space<semaphore_mem>>)
    %dma_wait3A_88 = arith.constant 0 : i32
    %dma_wait3A_89 = arith.constant 0 : i32
    %dma_wait3A_90 = arith.constant 0 : i32
    %dma_wait3A_91 = tpu.memref_slice %arg5[%dma_wait3A_88, %dma_wait3A_89, %dma_wait3A_90] : memref<1600x128x64xf32, #tpu.memory_space<hbm>> -> memref<1x128x64xf32, #tpu.memory_space<hbm>>
    %dma_wait3A_92 = tpu.memref_squeeze %dma_wait3A_91 : memref<1x128x64xf32, #tpu.memory_space<hbm>> -> memref<128x64xf32, #tpu.memory_space<hbm>>
    %dma_wait3A_93 = arith.constant 0 : i32
    %dma_wait3A_94 = arith.constant 0 : i32
    %dma_wait3A_95 = tpu.memref_slice %arg5[%dma_wait3A_88, %dma_wait3A_93, %dma_wait3A_94] : memref<1600x128x64xf32, #tpu.memory_space<hbm>> -> memref<1x128x64xf32, #tpu.memory_space<hbm>>
    %dma_wait3A_96 = tpu.memref_squeeze %dma_wait3A_95 : memref<1x128x64xf32, #tpu.memory_space<hbm>> -> memref<128x64xf32, #tpu.memory_space<hbm>>
    tpu.wait_dma2 semaphore(%arg17 : memref<!tpu.dma_semaphore, #tpu.memory_space<semaphore_mem>>) src(%arg11 : memref<128x64xf32, #tpu.memory_space<vmem>>) dst(%dma_wait3A_96 : memref<128x64xf32, #tpu.memory_space<hbm>>)
    %dma_wait3A_97 = arith.constant 0 : i32
    %dma_wait3A_98 = arith.constant 0 : i32
    %dma_wait3A_99 = arith.constant 0 : i32
    %dma_wait3A_100 = tpu.memref_slice %arg5[%dma_wait3A_97, %dma_wait3A_98, %dma_wait3A_99] : memref<1600x128x64xf32, #tpu.memory_space<hbm>> -> memref<1x128x64xf32, #tpu.memory_space<hbm>>
    %dma_wait3A_101 = tpu.memref_squeeze %dma_wait3A_100 : memref<1x128x64xf32, #tpu.memory_space<hbm>> -> memref<128x64xf32, #tpu.memory_space<hbm>>
    %dma_wait3A_102 = arith.constant 0 : i32
    %dma_wait3A_103 = arith.constant 0 : i32
    %dma_wait3A_104 = tpu.memref_slice %arg5[%dma_wait3A_97, %dma_wait3A_102, %dma_wait3A_103] : memref<1600x128x64xf32, #tpu.memory_space<hbm>> -> memref<1x128x64xf32, #tpu.memory_space<hbm>>
    %dma_wait3A_105 = tpu.memref_squeeze %dma_wait3A_104 : memref<1x128x64xf32, #tpu.memory_space<hbm>> -> memref<128x64xf32, #tpu.memory_space<hbm>>
    tpu.wait_dma2 semaphore(%arg18 : memref<!tpu.dma_semaphore, #tpu.memory_space<semaphore_mem>>) src(%arg12 : memref<128x64xf32, #tpu.memory_space<vmem>>) dst(%dma_wait3A_105 : memref<128x64xf32, #tpu.memory_space<hbm>>)
    %dma_wait3A_106 = arith.constant 0 : i32
    %dma_wait3A_107 = arith.constant 0 : i32
    %dma_wait3A_108 = arith.constant 0 : i32
    %dma_wait3A_109 = tpu.memref_slice %arg5[%dma_wait3A_106, %dma_wait3A_107, %dma_wait3A_108] : memref<1600x128x64xf32, #tpu.memory_space<hbm>> -> memref<1x128x64xf32, #tpu.memory_space<hbm>>
    %dma_wait3A_110 = tpu.memref_squeeze %dma_wait3A_109 : memref<1x128x64xf32, #tpu.memory_space<hbm>> -> memref<128x64xf32, #tpu.memory_space<hbm>>
    %dma_wait3A_111 = arith.constant 0 : i32
    %dma_wait3A_112 = arith.constant 0 : i32
    %dma_wait3A_113 = tpu.memref_slice %arg5[%dma_wait3A_106, %dma_wait3A_111, %dma_wait3A_112] : memref<1600x128x64xf32, #tpu.memory_space<hbm>> -> memref<1x128x64xf32, #tpu.memory_space<hbm>>
    %dma_wait3A_114 = tpu.memref_squeeze %dma_wait3A_113 : memref<1x128x64xf32, #tpu.memory_space<hbm>> -> memref<128x64xf32, #tpu.memory_space<hbm>>
    tpu.wait_dma2 semaphore(%arg19 : memref<!tpu.dma_semaphore, #tpu.memory_space<semaphore_mem>>) src(%arg13 : memref<128x64xf32, #tpu.memory_space<vmem>>) dst(%dma_wait3A_114 : memref<128x64xf32, #tpu.memory_space<hbm>>)
    return
  }
}

</mosaic_0001>

<sc_bundles>
// kernel: kernel.3.cloned.1.call-start
scs
__scs_entry_jumppad:
0x0: {  	(pc) =	sbr.rel $0x88, $3  }
0x1: {  	(tag) =	ssettag $0x0;
	lr =	simm.s32 $0x1  }
0x2: {  	[smem:$0x3F9E] =	sst lr;
	_ =	strace $0xD0000000  }
0x3: {  	_ = 	snop  }
0x4: {  	_ = 	snop  }
0x5: {  	_ = 	snop  }
0x6: {  	_ = 	snop  }
0x7: {  	_ = 	snop  }
__scs_overlays_trampoline_lowered:
0x8: {  	[smem:$0x3FAD] =	sst s0  }
0x9: {  	[smem:$0x3FAE] =	sst s1  }
0xa: {  	[smem:$0x3FAF] =	sst s2  }
0xb: {  	[smem:$0x3FB0] =	sst s3  }
0xc: {  	[smem:$0x3FB1] =	sst s4  }
0xd: {  	[smem:$0x3FB2] =	sst s5  }
0xe: {  	[smem:$0x3FB3] =	sst s6  }
0xf: {  	[smem:$0x3FB4] =	sst s7  }
0x10: {  	[smem:$0x3FB5] =	sst s8  }
0x11: {  	[smem:$0x3FB6] =	sst s9;
	s0 =	simm.s32 @!p0 $0x0  }
0x12: {  	s1 =	sld [smem:$0x3F9C];
	s0 =	simm.s32 @p0 $0x1  }
0x13: {  	[smem:$0x3FB7] =	sst s0;
	s0 =	simm.s32 @!p1 $0x0  }
0x14: {  	s2 =	sld [smem:$0x3F9B];
	s0 =	simm.s32 @p1 $0x1  }
0x15: {  	[smem:$0x3FB8] =	sst s0;
	s0 =	simm.s32 @!p2 $0x0  }
0x16: {  	s3 =	sld [smem:$0x3FDB];
	s0 =	simm.s32 @p2 $0x1  }
0x17: {  	s4 =	simm.s32 $0x1BF5;
	[smem:$0x3FBA] =	sst s0  }
0x18: {  	s0 =	sld [smem:$0x3F9D];
	_ =	swait.ge [sflag:s4], $0x0  }
0x19: {  	s7 =	sld [smem:$0x3F9E]  }
0x1a: {  	s8 =	sadd.s32 $0xFFFFE003, lr  }
0x1b: {  	s9 =	sadd.s32 $0xFFFFFEF7, lr;
	s5 =	simm.s32 $0xFFFFFFFF;
	p2 =	slt.u32 s8, $0xFFFFF086  }
0x1c: {  	p1 =	slt.u32 s9, $0xF7A;
	s5 =	simm.s32 @!p2 $0x0  }
0x1d: {  	s5 =	simm.s32 @p1 $0x1;
	p0 =	seq.s32 s7, s2  }
0x1e: {  	s7 =	smul.u32 @!p0 $0xF7A, s2;
	p2 =	seq.s32 @!p0 s5, $0x0  }
0x1f: {  	s9 =	smul.u32 $0xF7A, s1;
	s8 =	simm.s32 @!p0 $0x1BF5;
	p2 =	por !p2, p0  }
0x20: {  	[sflag:s8] =	ssyncset.s32 @!p0 $0xFFFFF086;
	s6 =	sadd.s32 @!p0 s3, s7;
	s7 =	simm.s32 @!p0 $0x108  }
0x21: {  	s3 =	sadd.s32 s3, s9;
	s6 =	sadd.s32 @!p0 $0x88, s6;
	s7 =	simm.s32 @p2 $0x1082  }
0x22: {  	[simem:s7], [sflag:s8] =	dma.local @!p0 [hbm:s6], $0xF7A  }
0x23: {  	s9 =	sor.u32 $0xD0000000, s2;
	s6 =	simm.s32 $0x108;
	_ =	swait.ge @!p0 [sflag:s8], $0x0  }
0x24: {  	s3 =	sadd.s32 $0x88, s3;
	s6 =	simm.s32 @!p1 $0x1082;
	[sflag:s4] =	ssyncset.s32 $0xFFFFF086  }
0x25: {  	[simem:s6], [sflag:s4] =	dma.local [hbm:s3], $0xF7A  }
0x26: {  	[smem:$0x3F9E] =	sst s1;
	(tag) =	ssettag s2;
	_ =	strace s9  }
0x27: {  	s1 =	sld [smem:$0x3FAE]  }
0x28: {  	s2 =	sld [smem:$0x3FAF]  }
0x29: {  	s4 =	sld [smem:$0x3FB1]  }
0x2a: {  	p0 =	seq.s32 s5, $0x0;
	s5 =	sld [smem:$0x3FB2]  }
0x2b: {  	s6 =	sld [smem:$0x3FB3]  }
0x2c: {  	s7 =	sld [smem:$0x3FB4]  }
0x2d: {  	s3 =	simm.s32 $0x108;
	s8 =	sld [smem:$0x3FB5]  }
0x2e: {  	s3 =	simm.s32 @!p0 $0x1082;
	s9 =	sld [smem:$0x3FB6]  }
0x2f: {  	lr =	sadd.s32 s0, s3;
	s0 =	sld [smem:$0x3FAD]  }
0x30: {  	s3 =	sld [smem:$0x3FB0]  }
0x31: {  	[smem:$0x3FB9] =	sst s10  }
0x32: {  	s10 =	sld [smem:$0x3FB7];
	_ =	sdelay $0x3  }
0x33: {  	p0 =	seq.s32 s10, $0x1;
	s10 =	sld [smem:$0x3FB9];
	_ =	sdelay $0x3  }
0x34: {  	[smem:$0x3FB9] =	sst s10  }
0x35: {  	s10 =	sld [smem:$0x3FB8];
	_ =	sdelay $0x3  }
0x36: {  	p1 =	seq.s32 s10, $0x1;
	s10 =	sld [smem:$0x3FB9];
	_ =	sdelay $0x3  }
0x37: {  	[smem:$0x3FB9] =	sst s10  }
0x38: {  	s10 =	sld [smem:$0x3FBA]  }
0x39: {  	_ = 	snop;
	(pc) =	sbr.ind lr, $3  }
0x3a: {  	_ = 	snop  }
0x3b: {  	_ = 	snop  }
0x3c: {  	p2 =	seq.s32 s10, $0x1;
	s10 =	sld [smem:$0x3FB9]  }
0x3d: {  	_ =	shalt  }
0x3e: {  	_ =	shalt  }
0x3f: {  	_ =	shalt  }
0x40: {  	_ =	shalt  }
0x41: {  	_ =	shalt  }
0x42: {  	_ =	shalt  }
0x43: {  	_ =	shalt  }
0x44: {  	_ =	shalt  }
0x45: {  	_ =	shalt  }
0x46: {  	_ =	shalt  }
0x47: {  	_ =	shalt  }
0x48: {  	_ =	shalt  }
0x49: {  	_ =	shalt  }
0x4a: {  	_ =	shalt  }
0x4b: {  	_ =	shalt  }
0x4c: {  	_ =	shalt  }
0x4d: {  	_ =	shalt  }
0x4e: {  	_ =	shalt  }
0x4f: {  	_ =	shalt  }
0x50: {  	_ =	shalt  }
0x51: {  	_ =	shalt  }
0x52: {  	_ =	shalt  }
0x53: {  	_ =	shalt  }
0x54: {  	_ =	shalt  }
0x55: {  	_ =	shalt  }
0x56: {  	_ =	shalt  }
0x57: {  	_ =	shalt  }
0x58: {  	_ =	shalt  }
0x59: {  	_ =	shalt  }
0x5a: {  	_ =	shalt  }
0x5b: {  	_ =	shalt  }
0x5c: {  	_ =	shalt  }
0x5d: {  	_ =	shalt  }
0x5e: {  	_ =	shalt  }
0x5f: {  	_ =	shalt  }
0x60: {  	_ =	shalt  }
0x61: {  	_ =	shalt  }
0x62: {  	_ =	shalt  }
0x63: {  	_ =	shalt  }
0x64: {  	_ =	shalt  }
0x65: {  	_ =	shalt  }
0x66: {  	_ =	shalt  }
0x67: {  	_ =	shalt  }
0x68: {  	_ =	shalt  }
0x69: {  	_ =	shalt  }
0x6a: {  	_ =	shalt  }
0x6b: {  	_ =	shalt  }
0x6c: {  	_ =	shalt  }
0x6d: {  	_ =	shalt  }
0x6e: {  	_ =	shalt  }
0x6f: {  	_ =	shalt  }
0x70: {  	_ =	shalt  }
0x71: {  	_ =	shalt  }
0x72: {  	_ =	shalt  }
0x73: {  	_ =	shalt  }
0x74: {  	_ =	shalt  }
0x75: {  	_ =	shalt  }
0x76: {  	_ =	shalt  }
0x77: {  	_ =	shalt  }
0x78: {  	_ =	shalt  }
0x79: {  	_ =	shalt  }
0x7a: {  	_ =	shalt  }
0x7b: {  	_ =	shalt  }
0x7c: {  	_ =	shalt  }
0x7d: {  	_ =	shalt  }
0x7e: {  	_ =	shalt  }
0x7f: {  	_ =	shalt  }
0x80: {  	_ =	shalt  }
0x81: {  	_ =	shalt  }
0x82: {  	_ =	shalt  }
0x83: {  	_ =	shalt  }
0x84: {  	_ =	shalt  }
0x85: {  	_ =	shalt  }
0x86: {  	_ =	shalt  }
0x87: {  	_ =	shalt  }
.Lfunc_end0:
.L_simem_size_0:
called_computation.1_lowered:
.L_overlay_start_0:
0x88: {  	s2 =	sld [smem:$0x3FD9]  }
0x89: {  	s3 =	sld [smem:$0x3FFE];
	_ =	sdelay $0x1  }
0x8a: {  	s1 =	srdreg.scid  }
0x8b: {  	s0 =	sand.u32 $0x1, s1  }
0x8c: {  	s16 =	sshll.u32 s0, $0xA;
	s2 =	sadd.s32 s3, s2  }
0x8d: {  	s2 =	sadd.s32 s2, s16  }
0x8e: {  	[smem:$0x3FC5] =	sst s2  }
0x8f: {  	_ = 	snop  }
0x90: {  	(tm) =	ssettm $0x1  }
0x91: {  	s17 =	sld [smem:$0x3FFB];
	_ =	sdelay $0x3  }
0x92: {  	_ =	strace s17  }
0x93: {  	s2 =	sld [smem:$0x3FFC];
	_ =	sdelay $0x3  }
0x94: {  	_ =	strace s2  }
0x95: {  	s2 =	sld [smem:$0x3FFD];
	_ =	sdelay $0x3  }
0x96: {  	_ =	strace s2  }
0x97: {  	_ =	strace $0x8FFFFFFF  }
0x98: {  	s18 =	sld [smem:$0x3FDB];
	_ =	sdelay $0x1  }
0x99: {  	s19 =	simm.s32 $_scs_section_size  }
0x9a: {  	s4 =	simm.s32 $_size__tile_overlayer_lowered;
	s5 =	simm.s32 $_tile_overlayer_lowered  }
0x9b: {  	s22 =	simm.s32 $0x1BFF;
	s21 =	sshll.u32 s5, $0x1;
	s2 =	sadd.s32 s19, s18  }
0x9c: {  	s6 =	simm.s32 $0x0;
	s20 =	sshll.u32 s4, $0x1;
	s4 =	sadd.s32 s21, s2  }
0x9d: {  	[timem:s6], [sflag:s22] =	dma.local [hbm:s4], s20  }
0x9e: {  	_ =	swait.ge [sflag:s22], s20  }
0x9f: {  	s3 =	ssub.s32 $0x0, s20;
	[sflag:s22] =	ssyncset.done $0x0  }
0xa0: {  	[sflag:s22] =	ssyncadd.s32 s3;
	_ =	sdelay $0x1  }
0xa1: {  	s23 =	simm.s32 $0x1B8B  }
0xa2: {  	_ =	swait.ge [sflag:s23], $0x1  }
0xa3: {  	[sflag:s23] =	ssyncset.done $0x0  }
0xa4: {  	s25 =	simm.s32 $0x1B8E;
	s24 =	sld [smem:$0x3FFE];
	[sflag:s23] =	ssyncadd.s32 $0xFFFFFFFF  }
0xa5: {  	s26 =	simm.s32 $execute0_lowered;
	[smem:$0x3FD2] =	sst s25  }
0xa6: {  	s4 =	sshll.u32 s26, $0x1;
	_ =	strace $0x80000046;
	[dreg:$0x1] =	wrdreg $0xFFFFFFFF  }
0xa7: {  	s28 =	simm.s32 $_size_execute0_lowered;
	s2 =	sadd.s32 s2, s4;
	[dreg:$0x0] =	wrdreg $0x0  }
0xa8: {  	s4 =	sshll.u32 s28, $0x1;
	[dreg:$0x2] =	wrdreg s2  }
0xa9: {  	[dreg:$0x3] =	wrdreg s4  }
0xaa: {  	[dreg:$0x4] =	wrdreg $0xC0  }
0xab: {  	_ =	task [dreg:s6], $0x5FFFF  }
0xac: {  	[dreg:$0x1] =	wrdreg $0xFFFFFFFF  }
0xad: {  	[dreg:$0x0] =	wrdreg $0x60  }
0xae: {  	[dreg:$0x2] =	wrdreg s24  }
0xaf: {  	[dreg:$0x3] =	wrdreg $0x9  }
0xb0: {  	_ =	task.clear_ibuf [dreg:s6], $0x4FFFF;
	_ =	strace $0x90000046  }
0xb1: {  	s29 =	simm.s32 $0x9;
	_ =	strace $0x80000048  }
0xb2: {  	_ =	swait.ge [sflag:s29], $0x1  }
0xb3: {  	[sflag:s29] =	ssyncadd.s32 $0xFFFFFFFF  }
0xb4: {  	_ =	strace $0x90000048  }
0xb5: {  	_ =	sfence  }
0xb6: {  	s30 =	sld [smem:$0x0];
	_ =	sdelay $0x2  }
0xb7: {  	s31 =	sshll.u32 s1, $0xD;
	s1 =	sshrl.u32 s1, $0x2  }
0xb8: {  	s3 =	sand.u32 $0x4000, s31;
	s1 =	sadd.s32 s1, s30  }
0xb9: {  	s0 =	sor.u32 s3, s0;
	s1 =	sshll.u32 s1, $0x11  }
0xba: {  	s0 =	sor.u32 s1, s0  }
0xbb: {  	s0 =	sadd.s32 $0x8F2B, s0  }
0xbc: {  	[sflag:s0] =	ssyncadd.remote.s32 $0x1  }
0xbd: {  	_ =	sfence.sel $0xFFFF  }
0xbe: {  	[dreg:$0x0] =	wrdreg $0xFFFFFFFF;
	(pc) =	sbr.abs _section_cstart, $3  }
0xbf: {  	[dreg:$0x1] =	wrdreg $0xFFFFFFFF  }
0xc0: {  	_ =	task.clear_ibuf [dreg:s6], $0x2FFFF;
	_ =	strace $0x9FFFFFFF  }
0xc1: {  	(tm) =	ssettm $0x7FFFFFFF  }
tec
execute0_lowered:
.L_overlay_start_1:
0x0: {  	(tag) =	ssettag $0x1  }
0x1: {  	s0 =	srdreg.scid  }
0x2: {  	s2 =	stileid.u32;
	s4 =	rddreg [dreg:$0x0];
	s5 =	simm.s32 $0x0  }
0x3: {  	s0 =	sand.u32 $0x1, s0;
	s1 =	sshll.u32 s2, $0x1;
	[smem:$0x7FF] =	sst s5  }
0x4: {  	s10 =	sadd.s32 $0x18E400, s4;
	s9 =	smul.u32 $0x640000, s2;
	s1 =	sor.u32 s0, s1  }
0x5: {  	s8 =	sadd.s32 $0x6C00, s4;
	_ =	strace $0x80000047;
	s3 =	smul.u32 $0x1900, s1  }
0x6: {  	[dreg:$0x15] =	wrdreg s8;
	s11 =	ssub.s32 $0x2, s0;
	s7 =	smul.u32 $0xC8000, s1  }
0x7: {  	[dreg:$0x16] =	wrdreg s10;
	s12 =	sshrl.u32 s11, $0x1;
	s3 =	sshrl.u32 s3, $0x3  }
0x8: {  	s7 =	sshrl.u32 s7, $0x3;
	s6 =	sadd.s32 s3, s4;
	s3 =	sadd.s32 $0x7A00, s4  }
0x9: {  	s13 =	sadd.s32 s10, s7;
	s6 =	sadd.s32 $0x800, s6;
	[dreg:$0x14] =	wrdreg s3  }
0xa: {  	s4 =	ssub.s32 s11, s12;
	s14 =	sadd.s32 $0x18000, s13;
	[dreg:$0x17] =	wrdreg s6  }
0xb: {  	s7 =	smul.u32 $0x32, s1;
	s15 =	sadd.s32 $0x18800, s13;
	[dreg:$0x19] =	wrdreg s14  }
0xc: {  	s1 =	sshrl.u32 s9, $0x2;
	s4 =	smax.u32 s4, $0x1;
	[dreg:$0x1a] =	wrdreg s15  }
0xd: {  	s17 =	sadd.s32 $0xC1920, s1;
	[dreg:$0x1c] =	wrdreg s4  }
0xe: {  	s18 =	sadd.s32 $0xC19A0, s1;
	[dreg:$0x2] =	wrdreg s17  }
0xf: {  	s19 =	sadd.s32 $0xC1CA0, s1;
	[dreg:$0x3] =	wrdreg s18  }
0x10: {  	s20 =	sadd.s32 $0xC1A20, s1;
	[dreg:$0x4] =	wrdreg s19  }
0x11: {  	s22 =	sadd.s32 $0xC1AA0, s1;
	[dreg:$0x5] =	wrdreg s20  }
0x12: {  	s23 =	sadd.s32 $0xC1B00, s1;
	[dreg:$0x6] =	wrdreg s22  }
0x13: {  	s24 =	sadd.s32 $0xC1BA0, s1;
	[dreg:$0x7] =	wrdreg s23  }
0x14: {  	s26 =	sadd.s32 $0xC1C20, s1;
	[dreg:$0x8] =	wrdreg s24  }
0x15: {  	s29 =	sadd.s32 $0xC5920, s1;
	[dreg:$0x9] =	wrdreg s26  }
0x16: {  	s31 =	sadd.s32 $0xC59A0, s1;
	[dreg:$0xa] =	wrdreg s29  }
0x17: {  	s13 =	sadd.s32 $0xC5A20, s1;
	[dreg:$0xb] =	wrdreg s31  }
0x18: {  	s11 =	smul.u32 $0x320000, s0;
	[dreg:$0xd] =	wrdreg s13  }
0x19: {  	[dreg:$0x18] =	wrdreg s7  }
0x1a: {  	s16 =	smul.u32 $0x3200, s2;
	s2 =	sor.u32 $0x1900, s1;
	[dreg:$0x1b] =	wrdreg s11  }
0x1b: {  	s21 =	sadd.s32 s11, s9;
	s9 =	sadd.s32 $0xC5CA0, s1;
	[dreg:$0x1d] =	wrdreg s2  }
0x1c: {  	s15 =	sadd.s32 $0xC5AA0, s1;
	[dreg:$0xc] =	wrdreg s9  }
0x1d: {  	s0 =	smul.u32 $0x1900, s0;
	s17 =	sadd.s32 $0xC5B00, s1;
	[dreg:$0xe] =	wrdreg s15  }
0x1e: {  	s19 =	sadd.s32 $0xC5BA0, s1;
	[dreg:$0xf] =	wrdreg s17  }
0x1f: {  	s8 =	sadd.s32 s0, s16;
	[dreg:$0x10] =	wrdreg s19  }
0x20: {  	s25 =	sor.u32 $0x80, s8;
	[dreg:$0x1e] =	wrdreg s8  }
0x21: {  	s28 =	sadd.s32 $0x100, s8;
	[smem:$0x7EC] =	sst s25  }
0x22: {  	s30 =	sadd.s32 $0x1800, s8;
	[smem:$0x7ED] =	sst s28  }
0x23: {  	s6 =	sadd.s32 $0x1801, s8;
	[smem:$0x7EE] =	sst s30  }
0x24: {  	s12 =	sadd.s32 $0x1807, s8;
	[smem:$0x7EF] =	sst s6  }
0x25: {  	s14 =	sadd.s32 $0x1802, s8;
	[smem:$0x7F0] =	sst s12  }
0x26: {  	s16 =	sadd.s32 $0x1803, s8;
	[smem:$0x7F1] =	sst s14  }
0x27: {  	s18 =	sadd.s32 $0x1804, s8;
	[smem:$0x7F2] =	sst s16  }
0x28: {  	s20 =	sadd.s32 $0x1805, s8;
	[smem:$0x7F3] =	sst s18  }
0x29: {  	s22 =	sadd.s32 $0x1806, s8;
	[smem:$0x7F4] =	sst s20  }
0x2a: {  	s4 =	sshrl.u32 s21, $0x2;
	s21 =	sadd.s32 $0xC5C20, s1;
	[smem:$0x7F5] =	sst s22  }
0x2b: {  	s23 =	sadd.s32 $0x1880, s8;
	[dreg:$0x11] =	wrdreg s21  }
0x2c: {  	s13 =	simm.s32 $0xBD00;
	s24 =	sadd.s32 $0x1881, s8;
	[smem:$0x7F6] =	sst s23  }
0x2d: {  	s26 =	sadd.s32 $0x1882, s8;
	s29 =	sadd.s32 $0x1884, s8;
	[smem:$0x7F7] =	sst s24  }
0x2e: {  	s31 =	sadd.s32 $0x1886, s8;
	s15 =	simm.s32 $0x1;
	[smem:$0x7F9] =	sst s26  }
0x2f: {  	s17 =	simm.s32 $0x2;
	s19 =	simm.s32 $0x3;
	[smem:$0x7FB] =	sst s29  }
0x30: {  	s4 =	sor.u32 $0x1900, s4;
	s25 =	sadd.s32 $0x1887, s8;
	[smem:$0x7FD] =	sst s31  }
0x31: {  	s28 =	sadd.s32 $0x1883, s8;
	s30 =	sadd.s32 $0x1885, s8;
	[dreg:$0x1f] =	wrdreg s4  }
0x32: {  	s6 =	simm.s32 $0x80;
	s12 =	simm.s32 $0x7D00;
	[smem:$0x7F8] =	sst s25  }
0x33: {  	s16 =	simm.s32 $0x13D00;
	s18 =	simm.s32 $0x17D00;
	[smem:$0x7FA] =	sst s28  }
0x34: {  	[smem:$0x7FC] =	sst s30;
	s25 =	simm.s32 $0x1BD00;
	s4 =	simm.s32 $0x0  }
.LBB2_1:
0x35: {  	[smem:$0x7EB] =	sst s4  }
0x36: {  	s0 =	rddreg [dreg:$0x15];
	s1 =	simm.s32 $0x1900;
	s26 =	simm.s32 $0x7  }
0x37: {  	[tilespmem:s1], [sflag:$0x7] =	stream.linear.gather [hbm4b:s0+s5], $0x6400, $0x38;
	[tilespmem:$0x1FD00] =	vst v63  }
0x38: {  	_ =	swait.ge [sflag:s26], $0x6400  }
0x39: {  	[sflag:s26] =	ssyncset.done $0x0  }
0x3a: {  	s29 =	rddreg [dreg:$0x17];
	[sflag:s26] =	ssyncadd.s32 $0xFFFF9C00  }
0x3b: {  	[tilespmem:s5], [sflag:$0x7] =	stream.linear.gather [hbm4b:s29+s5], $0x1900, $0x38;
	[tilespmem:$0x1FD00] =	vst v63  }
0x3c: {  	_ =	swait.ge [sflag:s26], $0x1900  }
0x3d: {  	[sflag:s26] =	ssyncset.done $0x0;
	s21 =	sld [smem:$0x7ED]  }
0x3e: {  	s22 =	sld [smem:$0x7EC];
	[sflag:s26] =	ssyncadd.s32 $0xFFFFE700  }
0x3f: {  	[tilespmem:s12], [sflag:$0x1] =	stream.indirect.gather [hbm4b:s3+s6], $0x80, s5, s6, $0xb8;
	[tilespmem:$0x1FD00] =	vst v63  }
0x40: {  	s30 =	simm.s32 $0x100;
	s31 =	simm.s32 $0xFD00;
	s23 =	rddreg [dreg:$0x1f]  }
0x41: {  	[tilespmem:s13], [sflag:$0x2] =	stream.indirect.gather [hbm4b:s3+s6], $0x80, s6, s6, $0xb8;
	[tilespmem:$0x1FD00] =	vst v63  }
0x42: {  	s28 =	simm.s32 $0x0;
	s24 =	rddreg [dreg:$0x1e];
	s26 =	simm.s32 $0x0  }
0x43: {  	[tilespmem:s31], [sflag:$0x3] =	stream.indirect.gather [hbm4b:s3+s6], $0x80, s30, s6, $0xb8;
	[tilespmem:$0x1FD00] =	vst v63  }
.LBB2_2:
0x44: {  	_ =	swait.ge [sflag:s15], $0x4000  }
0x45: {  	p0 =	seq.s32 s28, $0x0;
	[sflag:s15] =	ssyncset.done $0x0  }
0x46: {  	s1 =	simm.s32 @!p0 $0x4;
	[sflag:s15] =	ssyncadd.s32 $0xFFFFC000  }
0x47: {  	_ =	swait.ge @!p0 [sflag:s1], $0x4000  }
0x48: {  	[sflag:s1] =	ssyncset.done @!p0 $0x0  }
0x49: {  	s31 =	simm.s32 $0x0;
	[sflag:s1] =	ssyncadd.s32 @!p0 $0xFFFFC000  }
0x4a: {  	s0 =	smulhi.u32 $0x51EB851F, s24;
	v0 =	vld [tilespmem:s31+$0x8080]  }
0x4b: {  	v9 =	vld [tilespmem:s31+$0x7D00]  }
0x4c: {  	s0 =	sshrl.u32 s0, $0x6;
	v10 =	vld [tilespmem:s31+$0x7D80]  }
0x4d: {  	s0 =	smul.u32 $0xFFFE7000, s0;
	v11 =	vld [tilespmem:s31+$0x7E80]  }
0x4e: {  	v13 =	vld [tilespmem:s31+$0x7F00]  }
0x4f: {  	s0 =	sshra.s32 s0, $0x2;
	v52 =	vld [tilespmem:s31+$0x7F80]  }
0x50: {  	s20 =	sshrl.u32 s11, $0x2;
	s0 =	sadd.s32 s0, s2;
	v54 =	vld [tilespmem:s31+$0x7D90]  }
0x51: {  	s30 =	sshra.s32 s26, $0x2;
	v55 =	vld [tilespmem:s31+$0x7E10];
	s0 =	sadd.s32 s20, s0  }
0x52: {  	v56 =	vld [tilespmem:s31+$0x7E90];
	s0 =	sadd.s32 s30, s0  }
0x53: {  	v57 =	vld [tilespmem:s31+$0x7F10];
	s1 =	sadd.s32 $0x0, s0  }
0x54: {  	v1 =	vld [tilespmem:s1+$0x380]  }
0x55: {  	v2 =	vld [tilespmem:s1+$0x0]  }
0x56: {  	v58 =	vld [tilespmem:s31+$0x7D20]  }
0x57: {  	v62 =	vld [tilespmem:s31+$0x7EA0]  }
0x58: {  	v3 =	vld [tilespmem:s1+$0x80]  }
0x59: {  	v4 =	vld [tilespmem:s1+$0x180];
	v0 =	vadd.f32 v1, v0  }
0x5a: {  	v8 =	vld [tilespmem:s1+$0x300];
	v2 =	vadd.f32 v2, v9  }
0x5b: {  	[tilespmem:s31+$0x14080] =	vst v0;
	v0 =	vld [tilespmem:s31+$0x8090]  }
0x5c: {  	[tilespmem:s31+$0x13D00] =	vst v2;
	v2 =	vld [tilespmem:s31+$0x8000]  }
0x5d: {  	v5 =	vld [tilespmem:s1+$0x390]  }
0x5e: {  	v63 =	vld [tilespmem:s31+$0x7F20]  }
0x5f: {  	v6 =	vld [tilespmem:s1+$0x200];
	v3 =	vadd.f32 v3, v10  }
0x60: {  	v1 =	vld [tilespmem:s1+$0x100]  }
0x61: {  	[tilespmem:s31+$0x13D80] =	vst v3;
	v3 =	vadd.f32 v4, v11;
	v4 =	vld [tilespmem:s1+$0x10];
	v2 =	vadd.f32 v8, v2  }
0x62: {  	v0 =	vadd.f32 v5, v0;
	v5 =	vld [tilespmem:s31+$0x7E00]  }
0x63: {  	[tilespmem:s31+$0x14000] =	vst v2;
	v2 =	vld [tilespmem:s31+$0x7D10]  }
0x64: {  	[tilespmem:s31+$0x14090] =	vst v0;
	v0 =	vld [tilespmem:s31+$0x80A0]  }
0x65: {  	v12 =	vld [tilespmem:s1+$0x3A0]  }
0x66: {  	v7 =	vld [tilespmem:s1+$0x280]  }
0x67: {  	[tilespmem:s31+$0x13E80] =	vst v3;
	v53 =	vld [tilespmem:s1+$0x310]  }
0x68: {  	v1 =	vadd.f32 v1, v5;
	v5 =	vadd.f32 v6, v13;
	v6 =	vld [tilespmem:s1+$0x190]  }
0x69: {  	v2 =	vadd.f32 v4, v2;
	v4 =	vld [tilespmem:s31+$0x7F90]  }
0x6a: {  	[tilespmem:s31+$0x13E00] =	vst v1;
	v1 =	vld [tilespmem:s1+$0x90];
	v0 =	vadd.f32 v12, v0  }
0x6b: {  	v3 =	vld [tilespmem:s1+$0x110];
	[tilespmem:s31+$0x13D10] =	vst v2  }
0x6c: {  	v2 =	vld [tilespmem:s31+$0x8010];
	[tilespmem:s31+$0x140A0] =	vst v0;
	v0 =	vadd.f32 v7, v52  }
0x6d: {  	[tilespmem:s31+$0x13F00] =	vst v5;
	v7 =	vld [tilespmem:s31+$0x80B0]  }
0x6e: {  	v6 =	vadd.f32 v6, v56;
	[tilespmem:s31+$0x13F80] =	vst v0;
	v0 =	vld [tilespmem:s1+$0x210]  }
0x6f: {  	v5 =	vld [tilespmem:s1+$0x3B0]  }
0x70: {  	v1 =	vadd.f32 v1, v54;
	[tilespmem:s31+$0x13E90] =	vst v6;
	v8 =	vld [tilespmem:s1+$0x290]  }
0x71: {  	v3 =	vadd.f32 v3, v55;
	v6 =	vld [tilespmem:s1+$0x1A0]  }
0x72: {  	[tilespmem:s31+$0x13D90] =	vst v1;
	v1 =	vld [tilespmem:s1+$0x20]  }
0x73: {  	v59 =	vld [tilespmem:s1+$0xA0];
	[tilespmem:s31+$0x13E10] =	vst v3;
	v0 =	vadd.f32 v0, v57  }
0x74: {  	v60 =	vld [tilespmem:s1+$0x120]  }
0x75: {  	v3 =	vadd.f32 v8, v4;
	v4 =	vld [tilespmem:s31+$0x7E20];
	[tilespmem:s31+$0x13F10] =	vst v0  }
0x76: {  	v0 =	vadd.f32 v53, v2;
	v2 =	vld [tilespmem:s1+$0x220]  }
0x77: {  	[tilespmem:s31+$0x13F90] =	vst v3;
	v3 =	vadd.f32 v5, v7;
	v5 =	vld [tilespmem:s31+$0x7FA0]  }
0x78: {  	[tilespmem:s31+$0x14010] =	vst v0;
	v0 =	vld [tilespmem:s31+$0x7DA0]  }
0x79: {  	v1 =	vadd.f32 v1, v58;
	v7 =	vld [tilespmem:s31+$0x8020]  }
0x7a: {  	v8 =	vld [tilespmem:s1+$0x2A0]  }
0x7b: {  	v6 =	vadd.f32 v6, v62;
	[tilespmem:s31+$0x13D20] =	vst v1;
	v61 =	vld [tilespmem:s1+$0x320]  }
0x7c: {  	[tilespmem:s31+$0x140B0] =	vst v3;
	v3 =	vld [tilespmem:s1+$0x30];
	v1 =	vadd.f32 v60, v4  }
0x7d: {  	[tilespmem:s31+$0x13EA0] =	vst v6;
	v4 =	vld [tilespmem:s31+$0x7D30];
	v0 =	vadd.f32 v59, v0  }
0x7e: {  	[tilespmem:s31+$0x13E20] =	vst v1;
	v10 =	vadd.f32 v2, v63;
	v2 =	vld [tilespmem:s1+$0x1B0]  }
0x7f: {  	s29 =	smul.u32 $0x3, s28;
	v1 =	vld [tilespmem:s1+$0x130];
	v5 =	vadd.f32 v8, v5;
	[tilespmem:s31+$0x13DA0] =	vst v0  }
0x80: {  	s4 =	simm.s32 $0x0;
	s8 =	sadd.s32 $0x8, s24;
	s0 =	simm.s32 $0x0;
	[tilespmem:s31+$0x13F20] =	vst v10;
	v6 =	vadd.f32 v61, v7;
	v0 =	vld [tilespmem:s1+$0xB0]  }
.LBB2_3:
0x81: {  	s9 =	smulhi.u32 $0x51EB851F, s8;
	s4 =	sadd.s32 $0x8, s4;
	v7 =	vld [tilespmem:s1+$0x230];
	[tilespmem:s31+$0x13FA0] =	vst v5  }
0x82: {  	p1 =	slt.u32 s4, $0x78;
	v3 =	vadd.f32 v3, v4;
	v4 =	vld [tilespmem:s1+$0x2B0];
	[tilespmem:s31+$0x14020] =	vst v6  }
0x83: {  	s9 =	sshrl.u32 s9, $0x6;
	v5 =	vld [tilespmem:s1+$0x330]  }
0x84: {  	s1 =	smul.u32 $0xFFFE7000, s9;
	[tilespmem:s31+$0x13D30] =	vst v3;
	v3 =	vld [tilespmem:s31+$0x7DB0]  }
0x85: {  	v6 =	vld [tilespmem:s31+$0x7E30]  }
0x86: {  	s1 =	sshra.s32 s1, $0x2;
	v8 =	vld [tilespmem:s31+$0x7EB0]  }
0x87: {  	s1 =	sadd.s32 s1, s2;
	v9 =	vld [tilespmem:s31+$0x7F30]  }
0x88: {  	s0 =	sadd.s32 $0x1000, s0;
	s1 =	sadd.s32 s20, s1;
	v10 =	vld [tilespmem:s31+$0x7FB0]  }
0x89: {  	s9 =	sshra.s32 s0, $0x2;
	s1 =	sadd.s32 s30, s1;
	v0 =	vadd.f32 v0, v3;
	v3 =	vld [tilespmem:s31+$0x8030]  }
0x8a: {  	s1 =	sadd.s32 s9, s1;
	v11 =	vld [tilespmem:s9+$0x8080];
	v1 =	vadd.f32 v1, v6  }
0x8b: {  	v6 =	vld [tilespmem:s1+$0x380];
	[tilespmem:s31+$0x13DB0] =	vst v0;
	v0 =	vadd.f32 v2, v8  }
0x8c: {  	v2 =	vld [tilespmem:s1+$0x0];
	[tilespmem:s31+$0x13E30] =	vst v1;
	v1 =	vadd.f32 v7, v9  }
0x8d: {  	v7 =	vld [tilespmem:s1+$0x80];
	[tilespmem:s31+$0x13EB0] =	vst v0;
	v0 =	vadd.f32 v4, v10  }
0x8e: {  	v4 =	vld [tilespmem:s1+$0x100];
	[tilespmem:s31+$0x13F30] =	vst v1;
	v1 =	vadd.f32 v5, v3  }
0x8f: {  	v3 =	vld [tilespmem:s1+$0x180];
	[tilespmem:s31+$0x13FB0] =	vst v0  }
0x90: {  	v0 =	vld [tilespmem:s1+$0x200];
	v5 =	vadd.f32 v6, v11;
	[tilespmem:s31+$0x14030] =	vst v1;
	s31 =	smov.u32 s9  }
0x91: {  	v1 =	vld [tilespmem:s1+$0x280]  }
0x92: {  	[tilespmem:s31+$0x14080] =	vst v5;
	v5 =	vld [tilespmem:s31+$0x8090]  }
0x93: {  	v6 =	vld [tilespmem:s1+$0x390]  }
0x94: {  	v8 =	vld [tilespmem:s1+$0x300]  }
0x95: {  	v9 =	vld [tilespmem:s31+$0x7D00]  }
0x96: {  	v10 =	vld [tilespmem:s31+$0x7D80]  }
0x97: {  	v11 =	vld [tilespmem:s31+$0x7E00]  }
0x98: {  	v12 =	vld [tilespmem:s31+$0x7E80];
	v5 =	vadd.f32 v6, v5  }
0x99: {  	v6 =	vld [tilespmem:s31+$0x7F00]  }
0x9a: {  	v2 =	vadd.f32 v2, v9;
	[tilespmem:s31+$0x14090] =	vst v5;
	v5 =	vld [tilespmem:s31+$0x80A0]  }
0x9b: {  	v7 =	vadd.f32 v7, v10;
	v9 =	vld [tilespmem:s1+$0x3A0]  }
0x9c: {  	[tilespmem:s31+$0x13D00] =	vst v2;
	v2 =	vadd.f32 v4, v11;
	v4 =	vld [tilespmem:s31+$0x7F80]  }
0x9d: {  	[tilespmem:s31+$0x13D80] =	vst v7;
	v3 =	vadd.f32 v3, v12;
	v7 =	vld [tilespmem:s31+$0x8000]  }
0x9e: {  	v10 =	vld [tilespmem:s1+$0x10];
	[tilespmem:s31+$0x13E00] =	vst v2;
	v0 =	vadd.f32 v0, v6  }
0x9f: {  	v2 =	vld [tilespmem:s1+$0x90];
	[tilespmem:s31+$0x13E80] =	vst v3  }
0xa0: {  	v3 =	vld [tilespmem:s1+$0x110];
	[tilespmem:s31+$0x13F00] =	vst v0;
	v0 =	vadd.f32 v9, v5  }
0xa1: {  	v5 =	vld [tilespmem:s1+$0x190];
	v1 =	vadd.f32 v1, v4  }
0xa2: {  	v4 =	vadd.f32 v8, v7;
	[tilespmem:s31+$0x140A0] =	vst v0;
	v0 =	vld [tilespmem:s31+$0x80B0]  }
0xa3: {  	[tilespmem:s31+$0x13F80] =	vst v1;
	v1 =	vld [tilespmem:s1+$0x3B0]  }
0xa4: {  	v6 =	vld [tilespmem:s1+$0x210];
	[tilespmem:s31+$0x14000] =	vst v4  }
0xa5: {  	v4 =	vld [tilespmem:s1+$0x290]  }
0xa6: {  	v7 =	vld [tilespmem:s1+$0x310]  }
0xa7: {  	v8 =	vld [tilespmem:s31+$0x7D10]  }
0xa8: {  	v9 =	vld [tilespmem:s31+$0x7D90];
	v0 =	vadd.f32 v1, v0  }
0xa9: {  	v1 =	vld [tilespmem:s31+$0x7E10]  }
0xaa: {  	v11 =	vld [tilespmem:s31+$0x7E90];
	[tilespmem:s31+$0x140B0] =	vst v0  }
0xab: {  	v0 =	vld [tilespmem:s31+$0x7F10]  }
0xac: {  	v8 =	vadd.f32 v10, v8;
	v10 =	vld [tilespmem:s31+$0x7F90]  }
0xad: {  	v2 =	vadd.f32 v2, v9;
	v9 =	vld [tilespmem:s31+$0x8010]  }
0xae: {  	[tilespmem:s31+$0x13D10] =	vst v8;
	v8 =	vld [tilespmem:s31+$0x7D20];
	v1 =	vadd.f32 v3, v1  }
0xaf: {  	v3 =	vld [tilespmem:s1+$0x20];
	[tilespmem:s31+$0x13D90] =	vst v2;
	v2 =	vadd.f32 v5, v11  }
0xb0: {  	v5 =	vld [tilespmem:s1+$0xA0];
	[tilespmem:s31+$0x13E10] =	vst v1;
	v0 =	vadd.f32 v6, v0  }
0xb1: {  	v1 =	vld [tilespmem:s1+$0x120];
	[tilespmem:s31+$0x13E90] =	vst v2;
	v2 =	vadd.f32 v4, v10  }
0xb2: {  	v6 =	vld [tilespmem:s1+$0x1A0];
	[tilespmem:s31+$0x13F10] =	vst v0;
	v0 =	vadd.f32 v7, v9  }
0xb3: {  	v7 =	vld [tilespmem:s1+$0x220];
	[tilespmem:s31+$0x13F90] =	vst v2  }
0xb4: {  	v2 =	vadd.f32 v3, v8;
	v8 =	vld [tilespmem:s1+$0x2A0];
	[tilespmem:s31+$0x14010] =	vst v0  }
0xb5: {  	v9 =	vld [tilespmem:s1+$0x320]  }
0xb6: {  	[tilespmem:s31+$0x13D20] =	vst v2;
	v0 =	vld [tilespmem:s31+$0x7DA0]  }
0xb7: {  	v2 =	vld [tilespmem:s31+$0x7E20]  }
0xb8: {  	v10 =	vld [tilespmem:s31+$0x7EA0]  }
0xb9: {  	v11 =	vld [tilespmem:s31+$0x7F20]  }
0xba: {  	v12 =	vld [tilespmem:s31+$0x7FA0]  }
0xbb: {  	v0 =	vadd.f32 v5, v0;
	v13 =	vld [tilespmem:s31+$0x8020]  }
.Ltmp0:
0xbc: {  	v3 =	vld [tilespmem:s1+$0x30];
	v1 =	vadd.f32 v1, v2;
	(pc) =	sbr.rel @p1 .LBB2_3-.Ltmp0, $4  }
0xbd: {  	v4 =	vld [tilespmem:s31+$0x7D30];
	[tilespmem:s31+$0x13DA0] =	vst v0;
	v2 =	vadd.f32 v6, v10  }
0xbe: {  	v0 =	vld [tilespmem:s1+$0xB0];
	[tilespmem:s31+$0x13E20] =	vst v1;
	v6 =	vadd.f32 v7, v11  }
0xbf: {  	v1 =	vld [tilespmem:s1+$0x130];
	[tilespmem:s31+$0x13EA0] =	vst v2;
	v5 =	vadd.f32 v8, v12  }
0xc0: {  	s8 =	sadd.s32 $0x8, s8;
	v2 =	vld [tilespmem:s1+$0x1B0];
	[tilespmem:s31+$0x13F20] =	vst v6;
	v6 =	vadd.f32 v9, v13  }
0xc1: {  	v7 =	vld [tilespmem:s1+$0x230]  }
0xc2: {  	v8 =	vld [tilespmem:s31+$0x7DB0]  }
0xc3: {  	v9 =	vld [tilespmem:s31+$0x7E30]  }
0xc4: {  	v10 =	vld [tilespmem:s31+$0x7EB0]  }
0xc5: {  	v11 =	vld [tilespmem:s31+$0x7F30]  }
0xc6: {  	[tilespmem:s31+$0x13FA0] =	vst v5;
	v44 =	vld [tilespmem:s31+$0x8030]  }
0xc7: {  	v5 =	vld [tilespmem:s1+$0x2B0]  }
0xc8: {  	[tilespmem:s31+$0x14020] =	vst v6;
	v3 =	vadd.f32 v3, v4;
	v4 =	vld [tilespmem:s31+$0x7FB0]  }
0xc9: {  	v6 =	vld [tilespmem:s1+$0x330];
	v0 =	vadd.f32 v0, v8  }
0xca: {  	[tilespmem:s31+$0x13D30] =	vst v3;
	v1 =	vadd.f32 v1, v9  }
0xcb: {  	[tilespmem:s31+$0x13DB0] =	vst v0;
	v0 =	vadd.f32 v2, v10  }
0xcc: {  	[tilespmem:s31+$0x13E30] =	vst v1;
	v1 =	vadd.f32 v7, v11  }
0xcd: {  	s0 =	smul.u32 $0x600, s28;
	[tilespmem:s31+$0x13EB0] =	vst v0;
	v0 =	vadd.f32 v5, v4  }
0xce: {  	[tilespmem:s31+$0x13F30] =	vst v1;
	v1 =	vadd.f32 v6, v44  }
0xcf: {  	s30 =	sshra.s32 s0, $0x2;
	[tilespmem:s31+$0x13FB0] =	vst v0  }
0xd0: {  	s9 =	sadd.s32 s7, s29;
	s0 =	sadd.s32 $0x180, s30;
	[tilespmem:s31+$0x14030] =	vst v1  }
0xd1: {  	[tilespmem:s12], [sflag:$0x1] =	stream.indirect.gather [hbm4b:s3+s6], $0x80, s0, s6, $0xb8;
	[tilespmem:$0x1FD00] =	vst v63  }
0xd2: {  	s0 =	sshll.u32 s9, $0xB  }
0xd3: {  	s14 =	smulhi.u32 $0x51EB851F, s22;
	s0 =	sadd.s32 s10, s0  }
0xd4: {  	[hbm4b:s0+s5] =	stream.linear.scatter [tilespmem:s16], [sflag:$0x4], $0x4000, $0x38;
	[tilespmem:$0x1FD00] =	vst v63  }
0xd5: {  	_ =	swait.ge [sflag:s17], $0x4000  }
0xd6: {  	s0 =	sshrl.u32 s14, $0x6;
	[sflag:s17] =	ssyncset.done $0x0  }
0xd7: {  	s1 =	simm.s32 @!p0 $0x5;
	s0 =	smul.u32 $0xFFFE7000, s0;
	[sflag:s17] =	ssyncadd.s32 $0xFFFFC000  }
0xd8: {  	_ =	swait.ge @!p0 [sflag:s1], $0x4000  }
0xd9: {  	s0 =	sshra.s32 s0, $0x2;
	[sflag:s1] =	ssyncset.done @!p0 $0x0  }
0xda: {  	s31 =	simm.s32 $0x0;
	s0 =	sadd.s32 s0, s23;
	[sflag:s1] =	ssyncadd.s32 @!p0 $0xFFFFC000  }
0xdb: {  	s1 =	sadd.s32 $0x0, s0;
	v0 =	vld [tilespmem:s31+$0xC080]  }
0xdc: {  	v1 =	vld [tilespmem:s1+$0x4380]  }
0xdd: {  	v2 =	vld [tilespmem:s1+$0x4000]  }
0xde: {  	v3 =	vld [tilespmem:s1+$0x4080]  }
0xdf: {  	v4 =	vld [tilespmem:s1+$0x4180]  }
0xe0: {  	v6 =	vld [tilespmem:s1+$0x4200]  }
0xe1: {  	v7 =	vld [tilespmem:s1+$0x4280]  }
0xe2: {  	v45 =	vld [tilespmem:s1+$0x4300]  }
0xe3: {  	v46 =	vld [tilespmem:s31+$0xBD00]  }
0xe4: {  	v47 =	vld [tilespmem:s31+$0xBD80]  }
0xe5: {  	v48 =	vld [tilespmem:s31+$0xBE80]  }
0xe6: {  	v13 =	vld [tilespmem:s31+$0xBF00]  }
0xe7: {  	v49 =	vld [tilespmem:s31+$0xBF80]  }
0xe8: {  	v52 =	vld [tilespmem:s31+$0xBD90]  }
0xe9: {  	v53 =	vld [tilespmem:s31+$0xBE10]  }
0xea: {  	v54 =	vld [tilespmem:s31+$0xBE90]  }
0xeb: {  	v55 =	vld [tilespmem:s31+$0xBF10];
	v0 =	vadd.f32 v1, v0  }
0xec: {  	v56 =	vld [tilespmem:s31+$0xBD20];
	v2 =	vadd.f32 v2, v46  }
0xed: {  	[tilespmem:s31+$0x18080] =	vst v0;
	v0 =	vld [tilespmem:s31+$0xC090]  }
0xee: {  	[tilespmem:s31+$0x17D00] =	vst v2;
	v2 =	vld [tilespmem:s31+$0xC000]  }
0xef: {  	v5 =	vld [tilespmem:s1+$0x4390]  }
0xf0: {  	v59 =	vld [tilespmem:s31+$0xBE20]  }
0xf1: {  	v60 =	vld [tilespmem:s31+$0xBEA0];
	v3 =	vadd.f32 v3, v47  }
0xf2: {  	v1 =	vld [tilespmem:s1+$0x4100]  }
0xf3: {  	[tilespmem:s31+$0x17D80] =	vst v3;
	v3 =	vadd.f32 v4, v48;
	v4 =	vld [tilespmem:s1+$0x4010];
	v2 =	vadd.f32 v45, v2  }
0xf4: {  	v0 =	vadd.f32 v5, v0;
	v5 =	vld [tilespmem:s31+$0xBE00]  }
0xf5: {  	[tilespmem:s31+$0x18000] =	vst v2;
	v2 =	vld [tilespmem:s31+$0xBD10]  }
0xf6: {  	[tilespmem:s31+$0x18090] =	vst v0;
	v0 =	vld [tilespmem:s31+$0xC0A0]  }
0xf7: {  	v12 =	vld [tilespmem:s1+$0x43A0]  }
0xf8: {  	v61 =	vld [tilespmem:s31+$0xBF20]  }
0xf9: {  	v62 =	vld [tilespmem:s31+$0xC020]  }
0xfa: {  	[tilespmem:s31+$0x17E80] =	vst v3;
	v51 =	vld [tilespmem:s1+$0x4310];
	v1 =	vadd.f32 v1, v5  }
0xfb: {  	v5 =	vadd.f32 v6, v13;
	v6 =	vld [tilespmem:s1+$0x4190]  }
0xfc: {  	v2 =	vadd.f32 v4, v2;
	v4 =	vld [tilespmem:s31+$0xBF90];
	[tilespmem:s31+$0x17E00] =	vst v1;
	v0 =	vadd.f32 v12, v0  }
0xfd: {  	v1 =	vld [tilespmem:s1+$0x4090];
	[tilespmem:s31+$0x17F00] =	vst v5  }
0xfe: {  	v3 =	vld [tilespmem:s1+$0x4110];
	[tilespmem:s31+$0x180A0] =	vst v0;
	v0 =	vadd.f32 v7, v49  }
0xff: {  	[tilespmem:s31+$0x17D10] =	vst v2;
	v2 =	vld [tilespmem:s31+$0xC010]  }
0x100: {  	[tilespmem:s31+$0x17F80] =	vst v0;
	v0 =	vld [tilespmem:s1+$0x4210]  }
0x101: {  	v7 =	vld [tilespmem:s31+$0xC0B0];
	v6 =	vadd.f32 v6, v54  }
0x102: {  	v5 =	vld [tilespmem:s1+$0x43B0];
	v1 =	vadd.f32 v1, v52  }
0x103: {  	[tilespmem:s31+$0x17E90] =	vst v6;
	v50 =	vld [tilespmem:s1+$0x4290];
	v3 =	vadd.f32 v3, v53  }
0x104: {  	v6 =	vld [tilespmem:s1+$0x41A0];
	[tilespmem:s31+$0x17D90] =	vst v1  }
0x105: {  	v1 =	vld [tilespmem:s1+$0x4020];
	[tilespmem:s31+$0x17E10] =	vst v3;
	v0 =	vadd.f32 v0, v55  }
0x106: {  	v3 =	vld [tilespmem:s1+$0x4120]  }
0x107: {  	v57 =	vld [tilespmem:s1+$0x40A0];
	[tilespmem:s31+$0x17F10] =	vst v0;
	v0 =	vadd.f32 v51, v2  }
0x108: {  	v4 =	vadd.f32 v50, v4;
	v2 =	vld [tilespmem:s1+$0x4220]  }
0x109: {  	v5 =	vadd.f32 v5, v7;
	[tilespmem:s31+$0x18010] =	vst v0;
	v0 =	vld [tilespmem:s31+$0xBDA0]  }
0x10a: {  	v7 =	vld [tilespmem:s31+$0xBFA0];
	v1 =	vadd.f32 v1, v56;
	[tilespmem:s31+$0x17F90] =	vst v4  }
0x10b: {  	[tilespmem:s31+$0x180B0] =	vst v5;
	v4 =	vld [tilespmem:s1+$0x42A0];
	v3 =	vadd.f32 v3, v59  }
0x10c: {  	v6 =	vadd.f32 v6, v60;
	[tilespmem:s31+$0x17D20] =	vst v1;
	v58 =	vld [tilespmem:s1+$0x4320]  }
0x10d: {  	v63 =	vld [tilespmem:s31+$0xBD30];
	[tilespmem:s31+$0x17E20] =	vst v3;
	v3 =	vadd.f32 v2, v61  }
0x10e: {  	[tilespmem:s31+$0x17EA0] =	vst v6;
	v5 =	vld [tilespmem:s1+$0x4030];
	v0 =	vadd.f32 v57, v0  }
0x10f: {  	v2 =	vld [tilespmem:s1+$0x41B0];
	[tilespmem:s31+$0x17F20] =	vst v3  }
0x110: {  	v4 =	vadd.f32 v4, v7;
	[tilespmem:s31+$0x17DA0] =	vst v0;
	v0 =	vld [tilespmem:s1+$0x4130]  }
0x111: {  	v6 =	vadd.f32 v58, v62;
	v3 =	vld [tilespmem:s1+$0x4230]  }
0x112: {  	s4 =	simm.s32 $0x0;
	[tilespmem:s31+$0x17FA0] =	vst v4;
	v1 =	vld [tilespmem:s1+$0x40B0]  }
0x113: {  	s8 =	simm.s32 $0x0;
	s9 =	sadd.s32 $0x8, s22;
	s0 =	sadd.s32 $0x1, s29;
	v5 =	vadd.f32 v5, v63;
	v4 =	vld [tilespmem:s1+$0x42B0];
	[tilespmem:s31+$0x18020] =	vst v6  }
.LBB2_5:
0x114: {  	s14 =	smulhi.u32 $0x51EB851F, s9;
	s8 =	sadd.s32 $0x8, s8;
	v6 =	vld [tilespmem:s1+$0x4330]  }
0x115: {  	p1 =	slt.u32 s8, $0x78;
	[tilespmem:s31+$0x17D30] =	vst v5;
	v5 =	vld [tilespmem:s31+$0xBDB0]  }
0x116: {  	s1 =	sshrl.u32 s14, $0x6;
	v7 =	vld [tilespmem:s31+$0xBE30]  }
0x117: {  	s1 =	smul.u32 $0xFFFE7000, s1;
	v8 =	vld [tilespmem:s31+$0xBEB0]  }
0x118: {  	v9 =	vld [tilespmem:s31+$0xBF30]  }
0x119: {  	s4 =	sadd.s32 $0x1000, s4;
	s1 =	sshra.s32 s1, $0x2;
	v10 =	vld [tilespmem:s31+$0xBFB0]  }
0x11a: {  	s14 =	sshra.s32 s4, $0x2;
	s1 =	sadd.s32 s1, s23;
	v1 =	vadd.f32 v1, v5;
	v5 =	vld [tilespmem:s31+$0xC030]  }
0x11b: {  	s1 =	sadd.s32 s14, s1;
	v11 =	vld [tilespmem:s14+$0xC080];
	v0 =	vadd.f32 v0, v7  }
0x11c: {  	v7 =	vld [tilespmem:s1+$0x4380];
	[tilespmem:s31+$0x17DB0] =	vst v1;
	v1 =	vadd.f32 v2, v8  }
0x11d: {  	v2 =	vld [tilespmem:s1+$0x4000];
	[tilespmem:s31+$0x17E30] =	vst v0;
	v0 =	vadd.f32 v3, v9  }
0x11e: {  	v3 =	vld [tilespmem:s1+$0x4080];
	[tilespmem:s31+$0x17EB0] =	vst v1;
	v1 =	vadd.f32 v4, v10  }
0x11f: {  	v4 =	vld [tilespmem:s1+$0x4100];
	[tilespmem:s31+$0x17F30] =	vst v0;
	v0 =	vadd.f32 v6, v5  }
0x120: {  	v5 =	vld [tilespmem:s1+$0x4180];
	[tilespmem:s31+$0x17FB0] =	vst v1  }
0x121: {  	v1 =	vld [tilespmem:s1+$0x4200];
	v6 =	vadd.f32 v7, v11;
	[tilespmem:s31+$0x18030] =	vst v0;
	s31 =	smov.u32 s14  }
0x122: {  	v0 =	vld [tilespmem:s1+$0x4280]  }
0x123: {  	[tilespmem:s31+$0x18080] =	vst v6;
	v6 =	vld [tilespmem:s31+$0xC090]  }
0x124: {  	v7 =	vld [tilespmem:s1+$0x4390]  }
0x125: {  	v8 =	vld [tilespmem:s1+$0x4300]  }
0x126: {  	v9 =	vld [tilespmem:s31+$0xBD00]  }
0x127: {  	v10 =	vld [tilespmem:s31+$0xBD80]  }
0x128: {  	v11 =	vld [tilespmem:s31+$0xBE00]  }
0x129: {  	v12 =	vld [tilespmem:s31+$0xBE80];
	v6 =	vadd.f32 v7, v6  }
0x12a: {  	v7 =	vld [tilespmem:s31+$0xBF00]  }
0x12b: {  	v2 =	vadd.f32 v2, v9;
	[tilespmem:s31+$0x18090] =	vst v6;
	v6 =	vld [tilespmem:s31+$0xC0A0]  }
0x12c: {  	v3 =	vadd.f32 v3, v10;
	v9 =	vld [tilespmem:s1+$0x43A0]  }
0x12d: {  	[tilespmem:s31+$0x17D00] =	vst v2;
	v2 =	vadd.f32 v4, v11;
	v4 =	vld [tilespmem:s31+$0xBF80]  }
0x12e: {  	[tilespmem:s31+$0x17D80] =	vst v3;
	v3 =	vadd.f32 v5, v12;
	v5 =	vld [tilespmem:s31+$0xC000]  }
0x12f: {  	v10 =	vld [tilespmem:s1+$0x4010];
	[tilespmem:s31+$0x17E00] =	vst v2;
	v1 =	vadd.f32 v1, v7  }
0x130: {  	v2 =	vld [tilespmem:s1+$0x4090];
	[tilespmem:s31+$0x17E80] =	vst v3  }
0x131: {  	v3 =	vld [tilespmem:s1+$0x4110];
	[tilespmem:s31+$0x17F00] =	vst v1;
	v1 =	vadd.f32 v9, v6  }
0x132: {  	v6 =	vld [tilespmem:s1+$0x4190];
	v0 =	vadd.f32 v0, v4  }
0x133: {  	v4 =	vadd.f32 v8, v5;
	[tilespmem:s31+$0x180A0] =	vst v1;
	v1 =	vld [tilespmem:s31+$0xC0B0]  }
0x134: {  	[tilespmem:s31+$0x17F80] =	vst v0;
	v0 =	vld [tilespmem:s1+$0x43B0]  }
0x135: {  	v5 =	vld [tilespmem:s1+$0x4210];
	[tilespmem:s31+$0x18000] =	vst v4  }
0x136: {  	v4 =	vld [tilespmem:s1+$0x4290]  }
0x137: {  	v7 =	vld [tilespmem:s1+$0x4310]  }
0x138: {  	v8 =	vld [tilespmem:s31+$0xBD10]  }
0x139: {  	v9 =	vld [tilespmem:s31+$0xBD90];
	v0 =	vadd.f32 v0, v1  }
0x13a: {  	v1 =	vld [tilespmem:s31+$0xBE10]  }
0x13b: {  	v11 =	vld [tilespmem:s31+$0xBE90];
	[tilespmem:s31+$0x180B0] =	vst v0  }
0x13c: {  	v0 =	vld [tilespmem:s31+$0xBF10]  }
0x13d: {  	v8 =	vadd.f32 v10, v8;
	v10 =	vld [tilespmem:s31+$0xBF90]  }
0x13e: {  	v2 =	vadd.f32 v2, v9;
	v9 =	vld [tilespmem:s31+$0xC010]  }
0x13f: {  	[tilespmem:s31+$0x17D10] =	vst v8;
	v8 =	vld [tilespmem:s31+$0xBD20];
	v1 =	vadd.f32 v3, v1  }
0x140: {  	v3 =	vld [tilespmem:s1+$0x4020];
	[tilespmem:s31+$0x17D90] =	vst v2;
	v2 =	vadd.f32 v6, v11  }
0x141: {  	v6 =	vld [tilespmem:s1+$0x40A0];
	[tilespmem:s31+$0x17E10] =	vst v1;
	v0 =	vadd.f32 v5, v0  }
0x142: {  	v1 =	vld [tilespmem:s1+$0x4120];
	[tilespmem:s31+$0x17E90] =	vst v2;
	v2 =	vadd.f32 v4, v10  }
0x143: {  	v4 =	vld [tilespmem:s1+$0x41A0];
	[tilespmem:s31+$0x17F10] =	vst v0;
	v0 =	vadd.f32 v7, v9  }
0x144: {  	v5 =	vld [tilespmem:s1+$0x4220];
	[tilespmem:s31+$0x17F90] =	vst v2  }
0x145: {  	v2 =	vadd.f32 v3, v8;
	v3 =	vld [tilespmem:s1+$0x42A0];
	[tilespmem:s31+$0x18010] =	vst v0  }
0x146: {  	v7 =	vld [tilespmem:s1+$0x4320]  }
0x147: {  	[tilespmem:s31+$0x17D20] =	vst v2;
	v0 =	vld [tilespmem:s31+$0xBDA0]  }
0x148: {  	v2 =	vld [tilespmem:s31+$0xBE20]  }
0x149: {  	v8 =	vld [tilespmem:s31+$0xBEA0]  }
0x14a: {  	v9 =	vld [tilespmem:s31+$0xBF20]  }
0x14b: {  	v10 =	vld [tilespmem:s31+$0xBFA0]  }
0x14c: {  	v0 =	vadd.f32 v6, v0;
	v6 =	vld [tilespmem:s31+$0xC020]  }
0x14d: {  	v11 =	vld [tilespmem:s1+$0x4030];
	v2 =	vadd.f32 v1, v2  }
0x14e: {  	v12 =	vld [tilespmem:s31+$0xBD30];
	[tilespmem:s31+$0x17DA0] =	vst v0;
	v4 =	vadd.f32 v4, v8  }
.Ltmp1:
0x14f: {  	v1 =	vld [tilespmem:s1+$0x40B0];
	[tilespmem:s31+$0x17E20] =	vst v2;
	v5 =	vadd.f32 v5, v9;
	(pc) =	sbr.rel @p1 .LBB2_5-.Ltmp1, $4  }
0x150: {  	v0 =	vld [tilespmem:s1+$0x4130];
	[tilespmem:s31+$0x17EA0] =	vst v4;
	v4 =	vadd.f32 v3, v10  }
0x151: {  	v2 =	vld [tilespmem:s1+$0x41B0];
	[tilespmem:s31+$0x17F20] =	vst v5;
	v6 =	vadd.f32 v7, v6  }
0x152: {  	v3 =	vld [tilespmem:s1+$0x4230];
	[tilespmem:s31+$0x17FA0] =	vst v4  }
0x153: {  	s9 =	sadd.s32 $0x8, s9;
	v5 =	vadd.f32 v11, v12;
	v4 =	vld [tilespmem:s1+$0x42B0];
	[tilespmem:s31+$0x18020] =	vst v6  }
0x154: {  	v6 =	vld [tilespmem:s1+$0x4330]  }
0x155: {  	v7 =	vld [tilespmem:s31+$0xBDB0]  }
0x156: {  	v8 =	vld [tilespmem:s31+$0xBE30]  }
0x157: {  	v9 =	vld [tilespmem:s31+$0xBEB0]  }
0x158: {  	v10 =	vld [tilespmem:s31+$0xBF30]  }
0x159: {  	v11 =	vld [tilespmem:s31+$0xBFB0]  }
0x15a: {  	v1 =	vadd.f32 v1, v7;
	v7 =	vld [tilespmem:s31+$0xC030]  }
0x15b: {  	[tilespmem:s31+$0x17D30] =	vst v5;
	v0 =	vadd.f32 v0, v8  }
0x15c: {  	[tilespmem:s31+$0x17DB0] =	vst v1;
	v1 =	vadd.f32 v2, v9  }
0x15d: {  	[tilespmem:s31+$0x17E30] =	vst v0;
	v0 =	vadd.f32 v3, v10  }
0x15e: {  	[tilespmem:s31+$0x17EB0] =	vst v1;
	v1 =	vadd.f32 v4, v11  }
0x15f: {  	s0 =	sadd.s32 s7, s0;
	[tilespmem:s31+$0x17F30] =	vst v0;
	v0 =	vadd.f32 v6, v7  }
0x160: {  	s0 =	sshll.u32 s0, $0xB;
	[tilespmem:s31+$0x17FB0] =	vst v1  }
0x161: {  	s9 =	sadd.s32 $0x200, s30;
	s0 =	sand.u32 $0x1FFFF800, s0;
	[tilespmem:s31+$0x18030] =	vst v0  }
0x162: {  	[tilespmem:s13], [sflag:$0x2] =	stream.indirect.gather [hbm4b:s3+s6], $0x80, s9, s6, $0xb8;
	[tilespmem:$0x1FD00] =	vst v63  }
0x163: {  	s14 =	smulhi.u32 $0x51EB851F, s21;
	s0 =	sadd.s32 s10, s0  }
0x164: {  	[hbm4b:s0+s5] =	stream.linear.scatter [tilespmem:s18], [sflag:$0x5], $0x4000, $0x38;
	[tilespmem:$0x1FD00] =	vst v63  }
0x165: {  	_ =	swait.ge [sflag:s19], $0x4000  }
0x166: {  	s0 =	sshrl.u32 s14, $0x6;
	[sflag:s19] =	ssyncset.done $0x0  }
0x167: {  	s1 =	simm.s32 @!p0 $0x6;
	s0 =	smul.u32 $0xFFFE7000, s0;
	[sflag:s19] =	ssyncadd.s32 $0xFFFFC000  }
0x168: {  	_ =	swait.ge @!p0 [sflag:s1], $0x4000  }
0x169: {  	s0 =	sshra.s32 s0, $0x2;
	[sflag:s1] =	ssyncset.done @!p0 $0x0  }
0x16a: {  	s31 =	simm.s32 $0x0;
	s0 =	sadd.s32 s0, s23;
	[sflag:s1] =	ssyncadd.s32 @!p0 $0xFFFFC000  }
0x16b: {  	s1 =	sadd.s32 $0x0, s0;
	v0 =	vld [tilespmem:s31+$0x10080]  }
0x16c: {  	v1 =	vld [tilespmem:s1+$0x8380]  }
0x16d: {  	v2 =	vld [tilespmem:s1+$0x8000]  }
0x16e: {  	v3 =	vld [tilespmem:s1+$0x8080]  }
0x16f: {  	v4 =	vld [tilespmem:s1+$0x8180]  }
0x170: {  	v6 =	vld [tilespmem:s1+$0x8200]  }
0x171: {  	v7 =	vld [tilespmem:s1+$0x8280]  }
0x172: {  	v45 =	vld [tilespmem:s1+$0x8300]  }
0x173: {  	v46 =	vld [tilespmem:s31+$0xFD00]  }
0x174: {  	v47 =	vld [tilespmem:s31+$0xFD80]  }
0x175: {  	v48 =	vld [tilespmem:s31+$0xFE80]  }
0x176: {  	v13 =	vld [tilespmem:s31+$0xFF00]  }
0x177: {  	v49 =	vld [tilespmem:s31+$0xFF80]  }
0x178: {  	v52 =	vld [tilespmem:s31+$0xFD90]  }
0x179: {  	v53 =	vld [tilespmem:s31+$0xFE10]  }
0x17a: {  	v54 =	vld [tilespmem:s31+$0xFE90]  }
0x17b: {  	v55 =	vld [tilespmem:s31+$0xFF10];
	v0 =	vadd.f32 v1, v0  }
0x17c: {  	v56 =	vld [tilespmem:s31+$0xFD20];
	v2 =	vadd.f32 v2, v46  }
0x17d: {  	[tilespmem:s31+$0x1C080] =	vst v0;
	v0 =	vld [tilespmem:s31+$0x10090]  }
0x17e: {  	[tilespmem:s31+$0x1BD00] =	vst v2;
	v2 =	vld [tilespmem:s31+$0x10000]  }
0x17f: {  	v5 =	vld [tilespmem:s1+$0x8390]  }
0x180: {  	v59 =	vld [tilespmem:s31+$0xFE20]  }
0x181: {  	v60 =	vld [tilespmem:s31+$0xFEA0];
	v3 =	vadd.f32 v3, v47  }
0x182: {  	v1 =	vld [tilespmem:s1+$0x8100]  }
0x183: {  	[tilespmem:s31+$0x1BD80] =	vst v3;
	v3 =	vadd.f32 v4, v48;
	v4 =	vld [tilespmem:s1+$0x8010];
	v2 =	vadd.f32 v45, v2  }
0x184: {  	v0 =	vadd.f32 v5, v0;
	v5 =	vld [tilespmem:s31+$0xFE00]  }
0x185: {  	[tilespmem:s31+$0x1C000] =	vst v2;
	v2 =	vld [tilespmem:s31+$0xFD10]  }
0x186: {  	[tilespmem:s31+$0x1C090] =	vst v0;
	v0 =	vld [tilespmem:s31+$0x100A0]  }
0x187: {  	v12 =	vld [tilespmem:s1+$0x83A0]  }
0x188: {  	v61 =	vld [tilespmem:s31+$0xFF20]  }
0x189: {  	v62 =	vld [tilespmem:s31+$0x10020]  }
0x18a: {  	[tilespmem:s31+$0x1BE80] =	vst v3;
	v51 =	vld [tilespmem:s1+$0x8310];
	v1 =	vadd.f32 v1, v5  }
0x18b: {  	v5 =	vadd.f32 v6, v13;
	v6 =	vld [tilespmem:s1+$0x8190]  }
0x18c: {  	v2 =	vadd.f32 v4, v2;
	v4 =	vld [tilespmem:s31+$0xFF90];
	[tilespmem:s31+$0x1BE00] =	vst v1;
	v0 =	vadd.f32 v12, v0  }
0x18d: {  	v1 =	vld [tilespmem:s1+$0x8090];
	[tilespmem:s31+$0x1BF00] =	vst v5  }
0x18e: {  	v3 =	vld [tilespmem:s1+$0x8110];
	[tilespmem:s31+$0x1C0A0] =	vst v0;
	v0 =	vadd.f32 v7, v49  }
0x18f: {  	[tilespmem:s31+$0x1BD10] =	vst v2;
	v2 =	vld [tilespmem:s31+$0x10010]  }
0x190: {  	[tilespmem:s31+$0x1BF80] =	vst v0;
	v0 =	vld [tilespmem:s1+$0x8210]  }
0x191: {  	v7 =	vld [tilespmem:s31+$0x100B0];
	v6 =	vadd.f32 v6, v54  }
0x192: {  	v5 =	vld [tilespmem:s1+$0x83B0];
	v1 =	vadd.f32 v1, v52  }
0x193: {  	[tilespmem:s31+$0x1BE90] =	vst v6;
	v50 =	vld [tilespmem:s1+$0x8290];
	v3 =	vadd.f32 v3, v53  }
0x194: {  	v6 =	vld [tilespmem:s1+$0x81A0];
	[tilespmem:s31+$0x1BD90] =	vst v1  }
0x195: {  	v1 =	vld [tilespmem:s1+$0x8020];
	[tilespmem:s31+$0x1BE10] =	vst v3;
	v0 =	vadd.f32 v0, v55  }
0x196: {  	v3 =	vld [tilespmem:s1+$0x8120]  }
0x197: {  	v57 =	vld [tilespmem:s1+$0x80A0];
	[tilespmem:s31+$0x1BF10] =	vst v0;
	v0 =	vadd.f32 v51, v2  }
0x198: {  	v4 =	vadd.f32 v50, v4;
	v2 =	vld [tilespmem:s1+$0x8220]  }
0x199: {  	v5 =	vadd.f32 v5, v7;
	[tilespmem:s31+$0x1C010] =	vst v0;
	v0 =	vld [tilespmem:s31+$0xFDA0]  }
0x19a: {  	v7 =	vld [tilespmem:s31+$0xFFA0];
	v1 =	vadd.f32 v1, v56;
	[tilespmem:s31+$0x1BF90] =	vst v4  }
0x19b: {  	[tilespmem:s31+$0x1C0B0] =	vst v5;
	v4 =	vld [tilespmem:s1+$0x82A0];
	v3 =	vadd.f32 v3, v59  }
0x19c: {  	v6 =	vadd.f32 v6, v60;
	[tilespmem:s31+$0x1BD20] =	vst v1;
	v58 =	vld [tilespmem:s1+$0x8320]  }
0x19d: {  	v63 =	vld [tilespmem:s31+$0xFD30];
	[tilespmem:s31+$0x1BE20] =	vst v3;
	v3 =	vadd.f32 v2, v61  }
0x19e: {  	[tilespmem:s31+$0x1BEA0] =	vst v6;
	v5 =	vld [tilespmem:s1+$0x8030];
	v0 =	vadd.f32 v57, v0  }
0x19f: {  	v2 =	vld [tilespmem:s1+$0x81B0];
	[tilespmem:s31+$0x1BF20] =	vst v3  }
0x1a0: {  	v4 =	vadd.f32 v4, v7;
	[tilespmem:s31+$0x1BDA0] =	vst v0;
	v0 =	vld [tilespmem:s1+$0x8130]  }
0x1a1: {  	v6 =	vadd.f32 v58, v62;
	v3 =	vld [tilespmem:s1+$0x8230]  }
0x1a2: {  	s4 =	simm.s32 $0x0;
	[tilespmem:s31+$0x1BFA0] =	vst v4;
	v1 =	vld [tilespmem:s1+$0x80B0]  }
0x1a3: {  	s8 =	simm.s32 $0x0;
	s9 =	sadd.s32 $0x8, s21;
	s0 =	sadd.s32 $0x2, s29;
	v5 =	vadd.f32 v5, v63;
	v4 =	vld [tilespmem:s1+$0x82B0];
	[tilespmem:s31+$0x1C020] =	vst v6  }
.LBB2_7:
0x1a4: {  	s14 =	smulhi.u32 $0x51EB851F, s9;
	s8 =	sadd.s32 $0x8, s8;
	v6 =	vld [tilespmem:s1+$0x8330]  }
0x1a5: {  	p0 =	slt.u32 s8, $0x78;
	[tilespmem:s31+$0x1BD30] =	vst v5;
	v5 =	vld [tilespmem:s31+$0xFDB0]  }
0x1a6: {  	s1 =	sshrl.u32 s14, $0x6;
	v7 =	vld [tilespmem:s31+$0xFE30]  }
0x1a7: {  	s1 =	smul.u32 $0xFFFE7000, s1;
	v8 =	vld [tilespmem:s31+$0xFEB0]  }
0x1a8: {  	v9 =	vld [tilespmem:s31+$0xFF30]  }
0x1a9: {  	s4 =	sadd.s32 $0x1000, s4;
	s1 =	sshra.s32 s1, $0x2;
	v10 =	vld [tilespmem:s31+$0xFFB0]  }
0x1aa: {  	s14 =	sshra.s32 s4, $0x2;
	s1 =	sadd.s32 s1, s23;
	v1 =	vadd.f32 v1, v5;
	v5 =	vld [tilespmem:s31+$0x10030]  }
0x1ab: {  	s1 =	sadd.s32 s14, s1;
	v11 =	vld [tilespmem:s14+$0x10080];
	v0 =	vadd.f32 v0, v7  }
0x1ac: {  	v7 =	vld [tilespmem:s1+$0x8380];
	[tilespmem:s31+$0x1BDB0] =	vst v1;
	v1 =	vadd.f32 v2, v8  }
0x1ad: {  	v2 =	vld [tilespmem:s1+$0x8000];
	[tilespmem:s31+$0x1BE30] =	vst v0;
	v0 =	vadd.f32 v3, v9  }
0x1ae: {  	v3 =	vld [tilespmem:s1+$0x8080];
	[tilespmem:s31+$0x1BEB0] =	vst v1;
	v1 =	vadd.f32 v4, v10  }
0x1af: {  	v4 =	vld [tilespmem:s1+$0x8100];
	[tilespmem:s31+$0x1BF30] =	vst v0;
	v0 =	vadd.f32 v6, v5  }
0x1b0: {  	v5 =	vld [tilespmem:s1+$0x8180];
	[tilespmem:s31+$0x1BFB0] =	vst v1  }
0x1b1: {  	v1 =	vld [tilespmem:s1+$0x8200];
	v6 =	vadd.f32 v7, v11;
	[tilespmem:s31+$0x1C030] =	vst v0;
	s31 =	smov.u32 s14  }
0x1b2: {  	v0 =	vld [tilespmem:s1+$0x8280]  }
0x1b3: {  	[tilespmem:s31+$0x1C080] =	vst v6;
	v6 =	vld [tilespmem:s31+$0x10090]  }
0x1b4: {  	v7 =	vld [tilespmem:s1+$0x8390]  }
0x1b5: {  	v8 =	vld [tilespmem:s1+$0x8300]  }
0x1b6: {  	v9 =	vld [tilespmem:s31+$0xFD00]  }
0x1b7: {  	v10 =	vld [tilespmem:s31+$0xFD80]  }
0x1b8: {  	v11 =	vld [tilespmem:s31+$0xFE00]  }
0x1b9: {  	v12 =	vld [tilespmem:s31+$0xFE80];
	v6 =	vadd.f32 v7, v6  }
0x1ba: {  	v7 =	vld [tilespmem:s31+$0xFF00]  }
0x1bb: {  	v2 =	vadd.f32 v2, v9;
	[tilespmem:s31+$0x1C090] =	vst v6;
	v6 =	vld [tilespmem:s31+$0x100A0]  }
0x1bc: {  	v3 =	vadd.f32 v3, v10;
	v9 =	vld [tilespmem:s1+$0x83A0]  }
0x1bd: {  	[tilespmem:s31+$0x1BD00] =	vst v2;
	v2 =	vadd.f32 v4, v11;
	v4 =	vld [tilespmem:s31+$0xFF80]  }
0x1be: {  	[tilespmem:s31+$0x1BD80] =	vst v3;
	v3 =	vadd.f32 v5, v12;
	v5 =	vld [tilespmem:s31+$0x10000]  }
0x1bf: {  	v10 =	vld [tilespmem:s1+$0x8010];
	[tilespmem:s31+$0x1BE00] =	vst v2;
	v1 =	vadd.f32 v1, v7  }
0x1c0: {  	v2 =	vld [tilespmem:s1+$0x8090];
	[tilespmem:s31+$0x1BE80] =	vst v3  }
0x1c1: {  	v3 =	vld [tilespmem:s1+$0x8110];
	[tilespmem:s31+$0x1BF00] =	vst v1;
	v1 =	vadd.f32 v9, v6  }
0x1c2: {  	v6 =	vld [tilespmem:s1+$0x8190];
	v0 =	vadd.f32 v0, v4  }
0x1c3: {  	v4 =	vadd.f32 v8, v5;
	[tilespmem:s31+$0x1C0A0] =	vst v1;
	v1 =	vld [tilespmem:s31+$0x100B0]  }
0x1c4: {  	[tilespmem:s31+$0x1BF80] =	vst v0;
	v0 =	vld [tilespmem:s1+$0x83B0]  }
0x1c5: {  	v5 =	vld [tilespmem:s1+$0x8210];
	[tilespmem:s31+$0x1C000] =	vst v4  }
0x1c6: {  	v4 =	vld [tilespmem:s1+$0x8290]  }
0x1c7: {  	v7 =	vld [tilespmem:s1+$0x8310]  }
0x1c8: {  	v8 =	vld [tilespmem:s31+$0xFD10]  }
0x1c9: {  	v9 =	vld [tilespmem:s31+$0xFD90];
	v0 =	vadd.f32 v0, v1  }
0x1ca: {  	v1 =	vld [tilespmem:s31+$0xFE10]  }
0x1cb: {  	v11 =	vld [tilespmem:s31+$0xFE90];
	[tilespmem:s31+$0x1C0B0] =	vst v0  }
0x1cc: {  	v0 =	vld [tilespmem:s31+$0xFF10]  }
0x1cd: {  	v8 =	vadd.f32 v10, v8;
	v10 =	vld [tilespmem:s31+$0xFF90]  }
0x1ce: {  	v2 =	vadd.f32 v2, v9;
	v9 =	vld [tilespmem:s31+$0x10010]  }
0x1cf: {  	[tilespmem:s31+$0x1BD10] =	vst v8;
	v8 =	vld [tilespmem:s31+$0xFD20];
	v1 =	vadd.f32 v3, v1  }
0x1d0: {  	v3 =	vld [tilespmem:s1+$0x8020];
	[tilespmem:s31+$0x1BD90] =	vst v2;
	v2 =	vadd.f32 v6, v11  }
0x1d1: {  	v6 =	vld [tilespmem:s1+$0x80A0];
	[tilespmem:s31+$0x1BE10] =	vst v1;
	v0 =	vadd.f32 v5, v0  }
0x1d2: {  	v1 =	vld [tilespmem:s1+$0x8120];
	[tilespmem:s31+$0x1BE90] =	vst v2;
	v2 =	vadd.f32 v4, v10  }
0x1d3: {  	v4 =	vld [tilespmem:s1+$0x81A0];
	[tilespmem:s31+$0x1BF10] =	vst v0;
	v0 =	vadd.f32 v7, v9  }
0x1d4: {  	v5 =	vld [tilespmem:s1+$0x8220];
	[tilespmem:s31+$0x1BF90] =	vst v2  }
0x1d5: {  	v2 =	vadd.f32 v3, v8;
	v3 =	vld [tilespmem:s1+$0x82A0];
	[tilespmem:s31+$0x1C010] =	vst v0  }
0x1d6: {  	v7 =	vld [tilespmem:s1+$0x8320]  }
0x1d7: {  	[tilespmem:s31+$0x1BD20] =	vst v2;
	v0 =	vld [tilespmem:s31+$0xFDA0]  }
0x1d8: {  	v2 =	vld [tilespmem:s31+$0xFE20]  }
0x1d9: {  	v8 =	vld [tilespmem:s31+$0xFEA0]  }
0x1da: {  	v9 =	vld [tilespmem:s31+$0xFF20]  }
0x1db: {  	v10 =	vld [tilespmem:s31+$0xFFA0]  }
0x1dc: {  	v0 =	vadd.f32 v6, v0;
	v6 =	vld [tilespmem:s31+$0x10020]  }
0x1dd: {  	v11 =	vld [tilespmem:s1+$0x8030];
	v2 =	vadd.f32 v1, v2  }
0x1de: {  	v12 =	vld [tilespmem:s31+$0xFD30];
	[tilespmem:s31+$0x1BDA0] =	vst v0;
	v4 =	vadd.f32 v4, v8  }
.Ltmp2:
0x1df: {  	v1 =	vld [tilespmem:s1+$0x80B0];
	[tilespmem:s31+$0x1BE20] =	vst v2;
	v5 =	vadd.f32 v5, v9;
	(pc) =	sbr.rel @p0 .LBB2_7-.Ltmp2, $4  }
0x1e0: {  	v0 =	vld [tilespmem:s1+$0x8130];
	[tilespmem:s31+$0x1BEA0] =	vst v4;
	v4 =	vadd.f32 v3, v10  }
0x1e1: {  	v2 =	vld [tilespmem:s1+$0x81B0];
	[tilespmem:s31+$0x1BF20] =	vst v5;
	v6 =	vadd.f32 v7, v6  }
0x1e2: {  	v3 =	vld [tilespmem:s1+$0x8230];
	[tilespmem:s31+$0x1BFA0] =	vst v4  }
0x1e3: {  	s9 =	sadd.s32 $0x8, s9;
	v5 =	vadd.f32 v11, v12;
	v4 =	vld [tilespmem:s1+$0x82B0];
	[tilespmem:s31+$0x1C020] =	vst v6  }
0x1e4: {  	v6 =	vld [tilespmem:s1+$0x8330]  }
0x1e5: {  	v7 =	vld [tilespmem:s31+$0xFDB0]  }
0x1e6: {  	v8 =	vld [tilespmem:s31+$0xFE30]  }
0x1e7: {  	v9 =	vld [tilespmem:s31+$0xFEB0]  }
0x1e8: {  	v10 =	vld [tilespmem:s31+$0xFF30]  }
0x1e9: {  	v11 =	vld [tilespmem:s31+$0xFFB0]  }
0x1ea: {  	v59 =	vld [tilespmem:s31+$0x10030];
	v1 =	vadd.f32 v1, v7  }
0x1eb: {  	[tilespmem:s31+$0x1BD30] =	vst v5;
	v0 =	vadd.f32 v0, v8  }
0x1ec: {  	v60 =	vadd.f32 v2, v9;
	[tilespmem:s31+$0x1BDB0] =	vst v1  }
0x1ed: {  	v61 =	vadd.f32 v3, v10;
	[tilespmem:s31+$0x1BE30] =	vst v0  }
0x1ee: {  	v62 =	vadd.f32 v4, v11;
	[tilespmem:s31+$0x1BEB0] =	vst v60  }
0x1ef: {  	v63 =	vadd.f32 v6, v59;
	[tilespmem:s31+$0x1BF30] =	vst v61  }
0x1f0: {  	p0 =	seq.s32 s28, $0xF;
	s28 =	sadd.s32 $0x1, s28;
	[tilespmem:s31+$0x1BFB0] =	vst v62  }
0x1f1: {  	s1 =	sadd.s32 @!p0 $0x280, s30;
	s4 =	simm.s32 @!p0 $0x80;
	s8 =	simm.s32 @!p0 $0xFD00;
	[tilespmem:s31+$0x1C030] =	vst v63  }
0x1f2: {  	[tilespmem:s8], [sflag:$0x3] =	stream.indirect.gather @!p0 [hbm4b:s3+s4], $0x80, s1, s4, $0xb8;
	[tilespmem:$0x1FD00] =	vst v63  }
0x1f3: {  	p0 =	sne.s32 s28, $0x10  }
.Ltmp3:
0x1f4: {  	s0 =	sadd.s32 s7, s0;
	(pc) =	sbr.rel @p0 .LBB2_2-.Ltmp3, $4  }
0x1f5: {  	s26 =	sadd.s32 $0x30000, s26;
	s0 =	sshll.u32 s0, $0xB  }
0x1f6: {  	s24 =	sadd.s32 $0x180, s24;
	s23 =	sadd.s32 $0xC000, s23;
	s0 =	sand.u32 $0x1FFFF800, s0  }
0x1f7: {  	s22 =	sadd.s32 $0x180, s22;
	s21 =	sadd.s32 $0x180, s21;
	s0 =	sadd.s32 s10, s0  }
0x1f8: {  	[hbm4b:s0+s5] =	stream.linear.scatter [tilespmem:s25], [sflag:$0x6], $0x4000, $0x38;
	[tilespmem:$0x1FD00] =	vst v63  }
0x1f9: {  	s2 =	sld [smem:$0x7EE]  }
0x1fa: {  	s3 =	sld [smem:$0x7EF];
	_ =	swait.ge [sflag:s15], $0x4000  }
0x1fb: {  	s6 =	sld [smem:$0x7F1]  }
0x1fc: {  	s7 =	sld [smem:$0x7F2];
	s0 =	smulhi.u32 $0x51EB851F, s2  }
0x1fd: {  	[sflag:s15] =	ssyncset.done $0x0;
	s10 =	sld [smem:$0x7F3];
	s1 =	smulhi.u32 $0x51EB851F, s3  }
0x1fe: {  	s5 =	simm.s32 $0x4;
	[sflag:s15] =	ssyncadd.s32 $0xFFFFC000;
	s4 =	smulhi.u32 $0x51EB851F, s6  }
0x1ff: {  	_ =	swait.ge [sflag:s5], $0x4000;
	s8 =	smulhi.u32 $0x51EB851F, s7  }
0x200: {  	s9 =	smulhi.u32 $0x51EB851F, s10;
	s11 =	sld [smem:$0x7F4];
	s0 =	sshrl.u32 s0, $0x6  }
0x201: {  	s12 =	sld [smem:$0x7F5];
	s1 =	sshrl.u32 s1, $0x6;
	s19 =	smul.u32 $0xFFFE7000, s0  }
0x202: {  	[sflag:s5] =	ssyncset.done $0x0;
	s22 =	rddreg [dreg:$0x2];
	s1 =	smul.u32 $0xFFFE7000, s1  }
0x203: {  	[sflag:s5] =	ssyncadd.s32 $0xFFFFC000;
	s5 =	sld [smem:$0x7F0];
	s14 =	smulhi.u32 $0x51EB851F, s11  }
0x204: {  	s23 =	rddreg [dreg:$0x3];
	s4 =	sshrl.u32 s4, $0x6;
	s17 =	smulhi.u32 $0x51EB851F, s12  }
0x205: {  	s15 =	rddreg [dreg:$0x4];
	s4 =	smul.u32 $0xFFFE7000, s4  }
0x206: {  	s24 =	rddreg [dreg:$0x5];
	s8 =	sshrl.u32 s8, $0x6;
	s18 =	smulhi.u32 $0x51EB851F, s5  }
0x207: {  	s25 =	rddreg [dreg:$0x6];
	s9 =	sshrl.u32 s9, $0x6;
	s8 =	smul.u32 $0xFFFE7000, s8  }
0x208: {  	s16 =	rddreg [dreg:$0x7];
	s9 =	smul.u32 $0xFFFE7000, s9;
	s13 =	sshrl.u32 s18, $0x6  }
0x209: {  	s21 =	simm.s32 $0x0;
	s28 =	rddreg [dreg:$0x8];
	s0 =	smul.u32 $0xFFFE7000, s13  }
0x20a: {  	v0 =	vld [tilespmem:s21+$0x8080];
	s19 =	sshra.s32 s19, $0x2;
	s1 =	sshra.s32 s1, $0x2;
	s14 =	sshrl.u32 s14, $0x6  }
0x20b: {  	v9 =	vld [tilespmem:s21+$0x7D00];
	s17 =	sshrl.u32 s17, $0x6;
	s4 =	sshra.s32 s4, $0x2;
	s0 =	sshra.s32 s0, $0x2  }
0x20c: {  	v10 =	vld [tilespmem:s21+$0x7D80];
	s19 =	sadd.s32 s19, s22;
	s8 =	sshra.s32 s8, $0x2;
	s0 =	sadd.s32 s0, s15  }
0x20d: {  	v11 =	vld [tilespmem:s21+$0x7E80];
	s1 =	sadd.s32 s1, s23;
	s9 =	sshra.s32 s9, $0x2;
	s0 =	sadd.s32 s20, s0  }
0x20e: {  	v63 =	vld [tilespmem:s21+$0x7E90];
	s14 =	smul.u32 $0xFFFE7000, s14;
	s19 =	sadd.s32 s20, s19;
	s0 =	sadd.s32 $0x0, s0  }
0x20f: {  	s4 =	sadd.s32 s4, s24;
	s1 =	sadd.s32 s20, s1;
	s8 =	sadd.s32 s8, s25;
	v1 =	vld [tilespmem:s0+$0xFFFFFFE0]  }
0x210: {  	v13 =	vld [tilespmem:s21+$0x7F10];
	s9 =	sadd.s32 s9, s16;
	s30 =	sadd.s32 $0x0, s19;
	s29 =	sadd.s32 $0x0, s1  }
0x211: {  	s19 =	smul.u32 $0xFFFE7000, s17;
	s8 =	sadd.s32 s20, s8;
	v2 =	vld [tilespmem:s30+$0xFFFFFFE0];
	s24 =	sshra.s32 s14, $0x2  }
0x212: {  	s9 =	sadd.s32 s20, s9;
	v3 =	vld [tilespmem:s29+$0xFFFFFFE0];
	s23 =	sadd.s32 $0x0, s8;
	s8 =	sadd.s32 s24, s28  }
0x213: {  	v4 =	vld [tilespmem:s23+$0xFFFFFFE0];
	s28 =	sadd.s32 $0x0, s9;
	s25 =	sadd.s32 s20, s8  }
0x214: {  	s22 =	rddreg [dreg:$0x9];
	s1 =	sshra.s32 s19, $0x2;
	v6 =	vld [tilespmem:s28+$0x0];
	s24 =	sadd.s32 $0x0, s25;
	v0 =	vadd.f32 v1, v0  }
0x215: {  	s1 =	sadd.s32 s1, s22;
	v7 =	vld [tilespmem:s24+$0xFFFFFFE0]  }
0x216: {  	s1 =	sadd.s32 s20, s1;
	[tilespmem:s21+$0x14080] =	vst v0;
	v0 =	vld [tilespmem:s21+$0x8090]  }
0x217: {  	s13 =	sadd.s32 $0x0, s1;
	v5 =	vld [tilespmem:s0+$0xFFFFFFF0]  }
0x218: {  	v8 =	vld [tilespmem:s13+$0xFFFFFFE0]  }
0x219: {  	s4 =	sadd.s32 s20, s4;
	v2 =	vadd.f32 v2, v9;
	v9 =	vld [tilespmem:s21+$0x7F00]  }
0x21a: {  	s26 =	sadd.s32 $0x0, s4;
	v3 =	vadd.f32 v3, v10;
	v10 =	vld [tilespmem:s21+$0x7F80]  }
0x21b: {  	v1 =	vld [tilespmem:s26+$0xFFFFFFE0]  }
0x21c: {  	v0 =	vadd.f32 v5, v0;
	v5 =	vld [tilespmem:s21+$0x7E00]  }
0x21d: {  	[tilespmem:s21+$0x13D00] =	vst v2;
	v2 =	vld [tilespmem:s21+$0x8000]  }
0x21e: {  	[tilespmem:s21+$0x14090] =	vst v0;
	v0 =	vld [tilespmem:s21+$0x80A0]  }
0x21f: {  	[tilespmem:s21+$0x13D80] =	vst v3;
	v3 =	vadd.f32 v4, v11;
	v12 =	vld [tilespmem:s0+$0x0]  }
0x220: {  	v4 =	vld [tilespmem:s30+$0xFFFFFFF0]  }
0x221: {  	[tilespmem:s21+$0x13E80] =	vst v3;
	v3 =	vld [tilespmem:s21+$0x80B0];
	v1 =	vadd.f32 v1, v5  }
0x222: {  	v5 =	vld [tilespmem:s29+$0xFFFFFFF0]  }
0x223: {  	[tilespmem:s21+$0x13E00] =	vst v1;
	v1 =	vadd.f32 v6, v9;
	v9 =	vld [tilespmem:s23+$0xFFFFFFF0]  }
0x224: {  	v0 =	vadd.f32 v12, v0;
	v11 =	vld [tilespmem:s26+$0xFFFFFFF0]  }
0x225: {  	[tilespmem:s21+$0x13F00] =	vst v1;
	v1 =	vadd.f32 v8, v2;
	v8 =	vld [tilespmem:s21+$0x7D90]  }
0x226: {  	[tilespmem:s21+$0x140A0] =	vst v0;
	v0 =	vadd.f32 v7, v10;
	v7 =	vld [tilespmem:s28+$0x10]  }
0x227: {  	v6 =	vld [tilespmem:s0+$0x10]  }
0x228: {  	[tilespmem:s21+$0x13F80] =	vst v0;
	v0 =	vld [tilespmem:s21+$0x7D10]  }
0x229: {  	v10 =	vld [tilespmem:s21+$0x7E10];
	[tilespmem:s21+$0x14000] =	vst v1  }
0x22a: {  	v1 =	vld [tilespmem:s13+$0xFFFFFFF0]  }
0x22b: {  	v2 =	vld [tilespmem:s24+$0xFFFFFFF0];
	v8 =	vadd.f32 v5, v8  }
0x22c: {  	v5 =	vld [tilespmem:s21+$0x8010];
	v3 =	vadd.f32 v6, v3  }
0x22d: {  	s31 =	simm.s32 $0x0;
	v6 =	vld [tilespmem:s21+$0x7F90];
	[tilespmem:s21+$0x13D90] =	vst v8;
	v0 =	vadd.f32 v4, v0  }
0x22e: {  	s18 =	smov.u32 s7;
	s17 =	smov.u32 s11;
	s4 =	smov.u32 s3;
	v10 =	vadd.f32 v11, v10;
	[tilespmem:s21+$0x140B0] =	vst v3;
	v3 =	vld [tilespmem:s21+$0x7D20]  }
0x22f: {  	s19 =	smov.u32 s10;
	s9 =	smov.u32 s5;
	s8 =	smov.u32 s12;
	[tilespmem:s21+$0x13D10] =	vst v0;
	v0 =	vld [tilespmem:s29+$0x0]  }
0x230: {  	s25 =	smov.u32 s6;
	s1 =	simm.s32 $0x0;
	s0 =	sadd.s32 $0x8, s2;
	v7 =	vadd.f32 v7, v13;
	v8 =	vadd.f32 v9, v63;
	[tilespmem:s21+$0x13E10] =	vst v10;
	v4 =	vld [tilespmem:s30+$0x0]  }
.LBB2_10:
0x231: {  	v9 =	vld [tilespmem:s26+$0x0]  }
0x232: {  	v10 =	vld [tilespmem:s21+$0x7FA0]  }
0x233: {  	[tilespmem:s21+$0x13F10] =	vst v7;
	v7 =	vld [tilespmem:s21+$0x7EA0]  }
0x234: {  	[tilespmem:s21+$0x13E90] =	vst v8;
	v8 =	vld [tilespmem:s21+$0x7F20];
	v2 =	vadd.f32 v2, v6  }
0x235: {  	s14 =	smulhi.u32 $0x51EB851F, s0;
	s4 =	sadd.s32 $0x8, s4;
	v6 =	vld [tilespmem:s23+$0x0]  }
0x236: {  	s25 =	sadd.s32 $0x8, s25;
	s16 =	smulhi.u32 $0x51EB851F, s4;
	v1 =	vadd.f32 v1, v5;
	v5 =	vld [tilespmem:s28+$0x20];
	[tilespmem:s21+$0x13F90] =	vst v2;
	v2 =	vadd.f32 v4, v3  }
0x237: {  	s18 =	sadd.s32 $0x8, s18;
	s10 =	smulhi.u32 $0x51EB851F, s25;
	v4 =	vld [tilespmem:s21+$0x7E20]  }
0x238: {  	s19 =	sadd.s32 $0x8, s19;
	s6 =	smulhi.u32 $0x51EB851F, s18;
	[tilespmem:s21+$0x13D20] =	vst v2;
	v2 =	vld [tilespmem:s21+$0x7DA0]  }
0x239: {  	s17 =	sadd.s32 $0x8, s17;
	s2 =	smulhi.u32 $0x51EB851F, s19;
	[tilespmem:s21+$0x14010] =	vst v1;
	v3 =	vld [tilespmem:s24+$0x0]  }
0x23a: {  	s8 =	sadd.s32 $0x8, s8;
	s22 =	smulhi.u32 $0x51EB851F, s17;
	v1 =	vld [tilespmem:s13+$0x0]  }
0x23b: {  	[dreg:$0x13] =	wrdreg s13;
	s11 =	smulhi.u32 $0x51EB851F, s8;
	s14 =	sshrl.u32 s14, $0x6;
	v11 =	vld [tilespmem:s30+$0x10]  }
0x23c: {  	s15 =	rddreg [dreg:$0x2];
	s14 =	smul.u32 $0xFFFE7000, s14;
	s16 =	sshrl.u32 s16, $0x6;
	v4 =	vadd.f32 v9, v4;
	v9 =	vld [tilespmem:s21+$0x7D30]  }
0x23d: {  	s5 =	rddreg [dreg:$0x3];
	s10 =	sshrl.u32 s10, $0x6;
	s16 =	smul.u32 $0xFFFE7000, s16;
	v0 =	vadd.f32 v0, v2;
	v2 =	vld [tilespmem:s21+$0x8020]  }
0x23e: {  	s7 =	rddreg [dreg:$0x5];
	s6 =	sshrl.u32 s6, $0x6;
	s10 =	smul.u32 $0xFFFE7000, s10;
	[tilespmem:s21+$0x13E20] =	vst v4;
	v4 =	vadd.f32 v5, v8;
	v8 =	vld [tilespmem:s21+$0x7EB0]  }
0x23f: {  	s3 =	rddreg [dreg:$0x6];
	s2 =	sshrl.u32 s2, $0x6;
	s6 =	smul.u32 $0xFFFE7000, s6;
	v5 =	vld [tilespmem:s26+$0x10];
	[tilespmem:s21+$0x13DA0] =	vst v0;
	v0 =	vadd.f32 v6, v7  }
0x240: {  	s12 =	rddreg [dreg:$0x7];
	s11 =	sshrl.u32 s11, $0x6;
	s2 =	smul.u32 $0xFFFE7000, s2;
	v7 =	vld [tilespmem:s21+$0x7E30]  }
0x241: {  	s9 =	sadd.s32 $0x8, s9;
	s11 =	smul.u32 $0xFFFE7000, s11;
	s16 =	sshra.s32 s16, $0x2;
	v6 =	vld [tilespmem:s29+$0x10];
	[tilespmem:s21+$0x13EA0] =	vst v0;
	v0 =	vadd.f32 v3, v10  }
0x242: {  	s13 =	sshrl.u32 s22, $0x6;
	s5 =	sadd.s32 s16, s5;
	s16 =	smulhi.u32 $0x51EB851F, s9;
	v10 =	vld [tilespmem:s21+$0x7FB0]  }
0x243: {  	s1 =	sadd.s32 $0x1000, s1;
	s6 =	sshra.s32 s6, $0x2;
	s13 =	smul.u32 $0xFFFE7000, s13;
	v3 =	vld [tilespmem:s23+$0x10];
	[tilespmem:s21+$0x13FA0] =	vst v0;
	v0 =	vadd.f32 v11, v9  }
0x244: {  	s14 =	sshra.s32 s14, $0x2;
	s3 =	sadd.s32 s6, s3;
	[tilespmem:s21+$0x13F20] =	vst v4;
	v4 =	vld [tilespmem:s24+$0x10];
	s24 =	sshrl.u32 s16, $0x6  }
0x245: {  	s30 =	rddreg [dreg:$0x8];
	s13 =	sshra.s32 s13, $0x2;
	v1 =	vadd.f32 v1, v2;
	[tilespmem:s21+$0x13D30] =	vst v0;
	v0 =	vld [tilespmem:s21+$0x7DB0];
	s6 =	smul.u32 $0xFFFE7000, s24  }
0x246: {  	s10 =	sshra.s32 s10, $0x2;
	s26 =	sadd.s32 s13, s30;
	s13 =	rddreg [dreg:$0x4];
	v2 =	vld [tilespmem:s28+$0x30]  }
0x247: {  	s2 =	sshra.s32 s2, $0x2;
	s23 =	rddreg [dreg:$0x13];
	v9 =	vld [tilespmem:s21+$0x7F30];
	[tilespmem:s21+$0x14020] =	vst v1;
	s6 =	sshra.s32 s6, $0x2  }
0x248: {  	s14 =	sadd.s32 s14, s15;
	s16 =	sshra.s32 s1, $0x2;
	v1 =	vld [tilespmem:s23+$0x10];
	s6 =	sadd.s32 s6, s13  }
0x249: {  	s11 =	sshra.s32 s11, $0x2;
	s22 =	rddreg [dreg:$0x9];
	v11 =	vld [tilespmem:s16+$0x8080];
	s6 =	sadd.s32 s20, s6  }
0x24a: {  	s15 =	sadd.s32 s20, s14;
	s11 =	sadd.s32 s11, s22;
	v0 =	vadd.f32 v6, v0;
	v6 =	vld [tilespmem:s21+$0x8030];
	s22 =	sadd.s32 s16, s6  }
0x24b: {  	s7 =	sadd.s32 s10, s7;
	s5 =	sadd.s32 s20, s5;
	v5 =	vadd.f32 v5, v7;
	s30 =	sadd.s32 s16, s15;
	v7 =	vld [tilespmem:s22+$0xFFFFFFE0]  }
0x24c: {  	s2 =	sadd.s32 s2, s12;
	s7 =	sadd.s32 s20, s7;
	s29 =	sadd.s32 s16, s5;
	[tilespmem:s21+$0x13DB0] =	vst v0;
	v0 =	vadd.f32 v3, v8;
	v3 =	vld [tilespmem:s30+$0xFFFFFFE0]  }
0x24d: {  	s3 =	sadd.s32 s20, s3;
	s10 =	sadd.s32 s20, s26;
	s26 =	sadd.s32 s16, s7;
	[tilespmem:s21+$0x13E30] =	vst v5;
	v2 =	vadd.f32 v2, v9;
	v5 =	vld [tilespmem:s29+$0xFFFFFFE0]  }
0x24e: {  	s2 =	sadd.s32 s20, s2;
	s23 =	sadd.s32 s16, s3;
	[tilespmem:s21+$0x13EB0] =	vst v0;
	v0 =	vadd.f32 v4, v10;
	v4 =	vld [tilespmem:s26+$0xFFFFFFE0]  }
0x24f: {  	s28 =	sadd.s32 s16, s2;
	[tilespmem:s21+$0x13F30] =	vst v2;
	v1 =	vadd.f32 v1, v6;
	v2 =	vld [tilespmem:s23+$0xFFFFFFE0]  }
0x250: {  	s24 =	sadd.s32 s16, s10;
	[tilespmem:s21+$0x13FB0] =	vst v0;
	v0 =	vld [tilespmem:s28+$0x0];
	v6 =	vadd.f32 v7, v11  }
0x251: {  	s11 =	sadd.s32 s20, s11;
	[tilespmem:s21+$0x14030] =	vst v1;
	s21 =	smov.u32 s16;
	v1 =	vld [tilespmem:s24+$0xFFFFFFE0]  }
0x252: {  	s13 =	sadd.s32 s16, s11;
	[tilespmem:s21+$0x14080] =	vst v6;
	v6 =	vld [tilespmem:s21+$0x8090]  }
0x253: {  	v8 =	vld [tilespmem:s13+$0xFFFFFFE0]  }
0x254: {  	v7 =	vld [tilespmem:s22+$0xFFFFFFF0]  }
0x255: {  	v9 =	vld [tilespmem:s21+$0x7D00]  }
0x256: {  	v10 =	vld [tilespmem:s21+$0x7D80]  }
0x257: {  	v11 =	vld [tilespmem:s21+$0x7E00]  }
0x258: {  	v12 =	vld [tilespmem:s21+$0x7E80]  }
0x259: {  	v63 =	vld [tilespmem:s21+$0x7E90];
	v6 =	vadd.f32 v7, v6  }
0x25a: {  	v7 =	vld [tilespmem:s21+$0x7F00]  }
0x25b: {  	[tilespmem:s21+$0x14090] =	vst v6;
	v6 =	vld [tilespmem:s21+$0x80A0]  }
0x25c: {  	v3 =	vadd.f32 v3, v9;
	v9 =	vld [tilespmem:s22+$0x0]  }
0x25d: {  	v13 =	vld [tilespmem:s21+$0x7F10];
	v5 =	vadd.f32 v5, v10  }
0x25e: {  	[tilespmem:s21+$0x13D00] =	vst v3;
	v3 =	vadd.f32 v4, v11;
	v4 =	vld [tilespmem:s21+$0x7F80]  }
0x25f: {  	[tilespmem:s21+$0x13D80] =	vst v5;
	v5 =	vld [tilespmem:s21+$0x8000];
	v0 =	vadd.f32 v0, v7  }
0x260: {  	v10 =	vld [tilespmem:s30+$0xFFFFFFF0];
	[tilespmem:s21+$0x13E00] =	vst v3  }
0x261: {  	v3 =	vld [tilespmem:s29+$0xFFFFFFF0];
	[tilespmem:s21+$0x13F00] =	vst v0;
	v0 =	vadd.f32 v9, v6  }
0x262: {  	v7 =	vld [tilespmem:s26+$0xFFFFFFF0]  }
0x263: {  	v2 =	vadd.f32 v2, v12;
	[tilespmem:s21+$0x140A0] =	vst v0;
	v0 =	vld [tilespmem:s21+$0x80B0]  }
0x264: {  	v1 =	vadd.f32 v1, v4;
	v4 =	vld [tilespmem:s22+$0x10]  }
0x265: {  	[tilespmem:s21+$0x13E80] =	vst v2;
	v2 =	vadd.f32 v8, v5;
	v5 =	vld [tilespmem:s21+$0x7D10]  }
0x266: {  	v8 =	vld [tilespmem:s21+$0x7D90]  }
0x267: {  	v9 =	vld [tilespmem:s23+$0xFFFFFFF0]  }
0x268: {  	v11 =	vld [tilespmem:s28+$0x10]  }
0x269: {  	v0 =	vadd.f32 v4, v0;
	v4 =	vld [tilespmem:s21+$0x7E10]  }
0x26a: {  	s31 =	sadd.s32 $0x8, s31;
	[tilespmem:s21+$0x13F80] =	vst v1;
	v6 =	vld [tilespmem:s21+$0x7F90]  }
0x26b: {  	p0 =	slt.u32 s31, $0x78;
	[tilespmem:s21+$0x14000] =	vst v2;
	v2 =	vld [tilespmem:s24+$0xFFFFFFF0]  }
.Ltmp4:
0x26c: {  	v1 =	vld [tilespmem:s13+$0xFFFFFFF0];
	v8 =	vadd.f32 v3, v8;
	(pc) =	sbr.rel @p0 .LBB2_10-.Ltmp4, $4  }
0x26d: {  	v3 =	vld [tilespmem:s21+$0x7D20];
	[tilespmem:s21+$0x140B0] =	vst v0;
	v0 =	vadd.f32 v10, v5  }
0x26e: {  	[tilespmem:s21+$0x13D90] =	vst v8;
	v5 =	vld [tilespmem:s21+$0x8010];
	v7 =	vadd.f32 v7, v4  }
0x26f: {  	[tilespmem:s21+$0x13D10] =	vst v0;
	v0 =	vld [tilespmem:s29+$0x0]  }
0x270: {  	s0 =	sadd.s32 $0x8, s0;
	v8 =	vadd.f32 v9, v63;
	v4 =	vld [tilespmem:s30+$0x0];
	[tilespmem:s21+$0x13E10] =	vst v7;
	v7 =	vadd.f32 v11, v13  }
0x271: {  	v9 =	vld [tilespmem:s26+$0x0]  }
0x272: {  	v10 =	vld [tilespmem:s21+$0x7EA0]  }
0x273: {  	v11 =	vld [tilespmem:s21+$0x7FA0]  }
0x274: {  	[tilespmem:s21+$0x13F10] =	vst v7;
	v7 =	vld [tilespmem:s21+$0x7DA0]  }
0x275: {  	v2 =	vadd.f32 v2, v6;
	[tilespmem:s21+$0x13E90] =	vst v8;
	v8 =	vld [tilespmem:s21+$0x7E20]  }
0x276: {  	v6 =	vld [tilespmem:s23+$0x0]  }
0x277: {  	v1 =	vadd.f32 v1, v5;
	v5 =	vld [tilespmem:s28+$0x20];
	[tilespmem:s21+$0x13F90] =	vst v2  }
0x278: {  	v2 =	vld [tilespmem:s24+$0x0]  }
0x279: {  	[tilespmem:s21+$0x14010] =	vst v1;
	v3 =	vadd.f32 v4, v3;
	v4 =	vld [tilespmem:s21+$0x7F20]  }
0x27a: {  	v1 =	vld [tilespmem:s13+$0x0]  }
0x27b: {  	[tilespmem:s21+$0x13D20] =	vst v3;
	v3 =	vld [tilespmem:s21+$0x8020]  }
0x27c: {  	v8 =	vadd.f32 v9, v8;
	v9 =	vld [tilespmem:s21+$0x7D30]  }
0x27d: {  	v0 =	vadd.f32 v0, v7;
	v7 =	vld [tilespmem:s30+$0x10]  }
0x27e: {  	[tilespmem:s21+$0x13E20] =	vst v8;
	v8 =	vld [tilespmem:s21+$0x7E30]  }
0x27f: {  	[tilespmem:s21+$0x13DA0] =	vst v0;
	v0 =	vadd.f32 v6, v10;
	v10 =	vld [tilespmem:s21+$0x7EB0]  }
0x280: {  	v6 =	vld [tilespmem:s29+$0x10]  }
0x281: {  	v4 =	vadd.f32 v5, v4;
	v5 =	vld [tilespmem:s26+$0x10]  }
0x282: {  	[tilespmem:s21+$0x13EA0] =	vst v0;
	v0 =	vadd.f32 v2, v11;
	v11 =	vld [tilespmem:s21+$0x7F30]  }
0x283: {  	v2 =	vld [tilespmem:s23+$0x10]  }
0x284: {  	[tilespmem:s21+$0x13F20] =	vst v4;
	v4 =	vld [tilespmem:s21+$0x7DB0]  }
0x285: {  	v1 =	vadd.f32 v1, v3;
	v3 =	vld [tilespmem:s28+$0x30]  }
0x286: {  	[tilespmem:s21+$0x13FA0] =	vst v0;
	v7 =	vadd.f32 v7, v9;
	v9 =	vld [tilespmem:s21+$0x7FB0]  }
0x287: {  	v0 =	vld [tilespmem:s24+$0x10];
	[tilespmem:s21+$0x14020] =	vst v1  }
0x288: {  	v1 =	vld [tilespmem:s13+$0x10]  }
0x289: {  	v5 =	vadd.f32 v5, v8;
	v4 =	vadd.f32 v6, v4;
	v6 =	vld [tilespmem:s21+$0x8030]  }
0x28a: {  	[tilespmem:s21+$0x13D30] =	vst v7  }
0x28b: {  	v2 =	vadd.f32 v2, v10;
	[tilespmem:s21+$0x13E30] =	vst v5  }
0x28c: {  	v3 =	vadd.f32 v3, v11;
	[tilespmem:s21+$0x13DB0] =	vst v4  }
0x28d: {  	[tilespmem:s21+$0x13EB0] =	vst v2;
	v0 =	vadd.f32 v0, v9  }
0x28e: {  	[tilespmem:s21+$0x13F30] =	vst v3;
	v1 =	vadd.f32 v1, v6  }
0x28f: {  	[tilespmem:s21+$0x13FB0] =	vst v0  }
0x290: {  	[tilespmem:s21+$0x14030] =	vst v1  }
0x291: {  	s2 =	simm.s32 $0x0;
	s0 =	rddreg [dreg:$0x19]  }
0x292: {  	s3 =	simm.s32 $0x0;
	[dreg:$0x12] =	wrdreg s2  }
0x293: {  	s1 =	simm.s32 $0x13D00;
	s4 =	simm.s32 $0x2;
	s14 =	sld [smem:$0x7F6]  }
0x294: {  	[hbm4b:s0+s3] =	stream.linear.scatter [tilespmem:s1], [sflag:$0x4], $0x4000, $0x38;
	[tilespmem:$0x1FD00] =	vst v63  }
0x295: {  	s15 =	sld [smem:$0x7F7];
	_ =	swait.ge [sflag:s4], $0x4000  }
0x296: {  	s7 =	simm.s32 $0x5;
	s25 =	sld [smem:$0x7F9];
	[sflag:s4] =	ssyncset.done $0x0  }
0x297: {  	s9 =	smulhi.u32 $0x51EB851F, s14;
	s18 =	sld [smem:$0x7FA];
	[sflag:s4] =	ssyncadd.s32 $0xFFFFC000  }
0x298: {  	s10 =	smulhi.u32 $0x51EB851F, s15;
	s19 =	sld [smem:$0x7FB];
	_ =	swait.ge [sflag:s7], $0x4000  }
0x299: {  	s11 =	smulhi.u32 $0x51EB851F, s25;
	s17 =	sld [smem:$0x7FC]  }
0x29a: {  	s12 =	smulhi.u32 $0x51EB851F, s18;
	s22 =	sld [smem:$0x7FD]  }
0x29b: {  	s0 =	sshrl.u32 s9, $0x6;
	s13 =	smulhi.u32 $0x51EB851F, s19;
	s16 =	sld [smem:$0x7F8]  }
0x29c: {  	s23 =	sshrl.u32 s10, $0x6;
	s8 =	smul.u32 $0xFFFE7000, s0;
	s9 =	rddreg [dreg:$0xa]  }
0x29d: {  	[sflag:s7] =	ssyncset.done $0x0;
	s1 =	smul.u32 $0xFFFE7000, s23;
	s10 =	rddreg [dreg:$0xb]  }
0x29e: {  	s26 =	rddreg [dreg:$0xc];
	[sflag:s7] =	ssyncadd.s32 $0xFFFFC000;
	s21 =	smulhi.u32 $0x51EB851F, s16  }
0x29f: {  	s2 =	sshrl.u32 s11, $0x6;
	s8 =	sshra.s32 s8, $0x2;
	s1 =	sshra.s32 s1, $0x2  }
0x2a0: {  	s8 =	sadd.s32 s8, s9;
	s1 =	sadd.s32 s1, s10;
	s24 =	sshrl.u32 s21, $0x6  }
0x2a1: {  	s8 =	sadd.s32 s20, s8;
	s21 =	simm.s32 $0x0;
	s0 =	smul.u32 $0xFFFE7000, s24  }
0x2a2: {  	s11 =	rddreg [dreg:$0xd];
	s1 =	sadd.s32 s20, s1;
	s31 =	sadd.s32 $0x0, s8;
	v0 =	vld [tilespmem:s21+$0xC080]  }
0x2a3: {  	s5 =	smulhi.u32 $0x51EB851F, s17;
	s30 =	sadd.s32 $0x0, s1;
	v2 =	vld [tilespmem:s31+$0xFFFFFFE0];
	s0 =	sshra.s32 s0, $0x2  }
0x2a4: {  	s3 =	sshrl.u32 s12, $0x6;
	s6 =	smulhi.u32 $0x51EB851F, s22;
	v3 =	vld [tilespmem:s30+$0xFFFFFFE0];
	s0 =	sadd.s32 s0, s26  }
0x2a5: {  	s4 =	sshrl.u32 s13, $0x6;
	s3 =	smul.u32 $0xFFFE7000, s3;
	v9 =	vld [tilespmem:s21+$0xBD00];
	s0 =	sadd.s32 s20, s0  }
0x2a6: {  	s12 =	rddreg [dreg:$0xe];
	s4 =	smul.u32 $0xFFFE7000, s4;
	v10 =	vld [tilespmem:s21+$0xBD80];
	s0 =	sadd.s32 $0x0, s0  }
0x2a7: {  	s13 =	rddreg [dreg:$0xf];
	s2 =	smul.u32 $0xFFFE7000, s2;
	s3 =	sshra.s32 s3, $0x2;
	v1 =	vld [tilespmem:s0+$0xFFFFFFE0]  }
0x2a8: {  	s5 =	sshrl.u32 s5, $0x6;
	s4 =	sshra.s32 s4, $0x2;
	s3 =	sadd.s32 s3, s12;
	v11 =	vld [tilespmem:s21+$0xBE80]  }
0x2a9: {  	s6 =	sshrl.u32 s6, $0x6;
	s4 =	sadd.s32 s4, s13;
	v63 =	vld [tilespmem:s21+$0xBE90];
	s3 =	sadd.s32 s20, s3  }
0x2aa: {  	s2 =	sshra.s32 s2, $0x2;
	v13 =	vld [tilespmem:s21+$0xBF10];
	s4 =	sadd.s32 s20, s4;
	s24 =	sadd.s32 $0x0, s3  }
0x2ab: {  	s2 =	sadd.s32 s2, s11;
	s11 =	smul.u32 $0xFFFE7000, s6;
	s29 =	sadd.s32 $0x0, s4;
	v4 =	vld [tilespmem:s24+$0xFFFFFFE0]  }
0x2ac: {  	s5 =	smul.u32 $0xFFFE7000, s5;
	v6 =	vld [tilespmem:s29+$0x0];
	v0 =	vadd.f32 v1, v0  }
0x2ad: {  	s12 =	rddreg [dreg:$0x11];
	s1 =	sshra.s32 s11, $0x2;
	v2 =	vadd.f32 v2, v9;
	v9 =	vld [tilespmem:s21+$0xBF00]  }
0x2ae: {  	s23 =	sshra.s32 s5, $0x2;
	s26 =	rddreg [dreg:$0x10];
	s1 =	sadd.s32 s1, s12;
	[tilespmem:s21+$0x18080] =	vst v0;
	v0 =	vld [tilespmem:s21+$0xC090]  }
0x2af: {  	s3 =	sadd.s32 s23, s26;
	s1 =	sadd.s32 s20, s1;
	v5 =	vld [tilespmem:s0+$0xFFFFFFF0]  }
0x2b0: {  	s26 =	sadd.s32 s20, s3;
	s23 =	sadd.s32 $0x0, s1;
	v3 =	vadd.f32 v3, v10;
	v10 =	vld [tilespmem:s21+$0xBF80]  }
0x2b1: {  	s2 =	sadd.s32 s20, s2;
	s26 =	sadd.s32 $0x0, s26;
	v8 =	vld [tilespmem:s23+$0xFFFFFFE0]  }
0x2b2: {  	s28 =	sadd.s32 $0x0, s2;
	v7 =	vld [tilespmem:s26+$0xFFFFFFE0]  }
0x2b3: {  	v1 =	vld [tilespmem:s28+$0xFFFFFFE0]  }
0x2b4: {  	v0 =	vadd.f32 v5, v0;
	v5 =	vld [tilespmem:s21+$0xBE00]  }
0x2b5: {  	[tilespmem:s21+$0x17D00] =	vst v2;
	v2 =	vld [tilespmem:s21+$0xC000]  }
0x2b6: {  	[tilespmem:s21+$0x18090] =	vst v0;
	v0 =	vld [tilespmem:s21+$0xC0A0]  }
0x2b7: {  	[tilespmem:s21+$0x17D80] =	vst v3;
	v3 =	vadd.f32 v4, v11;
	v12 =	vld [tilespmem:s0+$0x0]  }
0x2b8: {  	v4 =	vld [tilespmem:s31+$0xFFFFFFF0]  }
0x2b9: {  	[tilespmem:s21+$0x17E80] =	vst v3;
	v3 =	vld [tilespmem:s21+$0xC0B0];
	v1 =	vadd.f32 v1, v5  }
0x2ba: {  	v5 =	vld [tilespmem:s30+$0xFFFFFFF0]  }
0x2bb: {  	[tilespmem:s21+$0x17E00] =	vst v1;
	v1 =	vadd.f32 v6, v9;
	v9 =	vld [tilespmem:s24+$0xFFFFFFF0]  }
0x2bc: {  	v0 =	vadd.f32 v12, v0;
	v11 =	vld [tilespmem:s28+$0xFFFFFFF0]  }
0x2bd: {  	[tilespmem:s21+$0x17F00] =	vst v1;
	v1 =	vadd.f32 v8, v2;
	v8 =	vld [tilespmem:s21+$0xBD90]  }
0x2be: {  	[tilespmem:s21+$0x180A0] =	vst v0;
	v0 =	vadd.f32 v7, v10;
	v7 =	vld [tilespmem:s29+$0x10]  }
0x2bf: {  	v6 =	vld [tilespmem:s0+$0x10]  }
0x2c0: {  	[tilespmem:s21+$0x17F80] =	vst v0;
	v0 =	vld [tilespmem:s21+$0xBD10]  }
0x2c1: {  	v10 =	vld [tilespmem:s21+$0xBE10];
	[tilespmem:s21+$0x18000] =	vst v1  }
0x2c2: {  	v1 =	vld [tilespmem:s23+$0xFFFFFFF0]  }
0x2c3: {  	v2 =	vld [tilespmem:s26+$0xFFFFFFF0];
	v8 =	vadd.f32 v5, v8  }
0x2c4: {  	v5 =	vld [tilespmem:s21+$0xC010];
	v3 =	vadd.f32 v6, v3  }
0x2c5: {  	v6 =	vld [tilespmem:s21+$0xBF90];
	[tilespmem:s21+$0x17D90] =	vst v8;
	v0 =	vadd.f32 v4, v0  }
0x2c6: {  	v10 =	vadd.f32 v11, v10;
	[tilespmem:s21+$0x180B0] =	vst v3;
	v3 =	vld [tilespmem:s21+$0xBD20]  }
0x2c7: {  	s9 =	smov.u32 s16;
	s8 =	smov.u32 s22;
	[tilespmem:s21+$0x17D10] =	vst v0;
	v0 =	vld [tilespmem:s30+$0x0]  }
0x2c8: {  	s4 =	smov.u32 s15;
	s1 =	simm.s32 $0x0;
	s0 =	sadd.s32 $0x8, s14;
	v7 =	vadd.f32 v7, v13;
	v8 =	vadd.f32 v9, v63;
	[tilespmem:s21+$0x17E10] =	vst v10;
	v4 =	vld [tilespmem:s31+$0x0]  }
.LBB2_12:
0x2c9: {  	v9 =	vld [tilespmem:s28+$0x0]  }
0x2ca: {  	v10 =	vld [tilespmem:s21+$0xBFA0]  }
0x2cb: {  	[tilespmem:s21+$0x17F10] =	vst v7;
	v7 =	vld [tilespmem:s21+$0xBEA0]  }
0x2cc: {  	[tilespmem:s21+$0x17E90] =	vst v8;
	v8 =	vld [tilespmem:s21+$0xBF20];
	v2 =	vadd.f32 v2, v6  }
0x2cd: {  	s2 =	smulhi.u32 $0x51EB851F, s0;
	s4 =	sadd.s32 $0x8, s4;
	v6 =	vld [tilespmem:s24+$0x0]  }
0x2ce: {  	s25 =	sadd.s32 $0x8, s25;
	s3 =	smulhi.u32 $0x51EB851F, s4;
	v1 =	vadd.f32 v1, v5;
	v5 =	vld [tilespmem:s29+$0x20];
	[tilespmem:s21+$0x17F90] =	vst v2;
	v2 =	vadd.f32 v4, v3  }
0x2cf: {  	s18 =	sadd.s32 $0x8, s18;
	s5 =	smulhi.u32 $0x51EB851F, s25;
	v4 =	vld [tilespmem:s21+$0xBE20]  }
0x2d0: {  	s19 =	sadd.s32 $0x8, s19;
	s6 =	smulhi.u32 $0x51EB851F, s18;
	[tilespmem:s21+$0x17D20] =	vst v2;
	v2 =	vld [tilespmem:s21+$0xBDA0]  }
0x2d1: {  	s17 =	sadd.s32 $0x8, s17;
	s7 =	smulhi.u32 $0x51EB851F, s19;
	[tilespmem:s21+$0x18010] =	vst v1;
	v3 =	vld [tilespmem:s26+$0x0]  }
0x2d2: {  	s8 =	sadd.s32 $0x8, s8;
	s12 =	rddreg [dreg:$0xa];
	s10 =	smulhi.u32 $0x51EB851F, s17;
	v1 =	vld [tilespmem:s23+$0x0]  }
0x2d3: {  	s13 =	rddreg [dreg:$0xb];
	s11 =	smulhi.u32 $0x51EB851F, s8;
	s2 =	sshrl.u32 s2, $0x6;
	v11 =	vld [tilespmem:s31+$0x10]  }
0x2d4: {  	s14 =	rddreg [dreg:$0xd];
	s2 =	smul.u32 $0xFFFE7000, s2;
	s3 =	sshrl.u32 s3, $0x6;
	v4 =	vadd.f32 v9, v4;
	v9 =	vld [tilespmem:s21+$0xBD30]  }
0x2d5: {  	s15 =	rddreg [dreg:$0xe];
	s5 =	sshrl.u32 s5, $0x6;
	s3 =	smul.u32 $0xFFFE7000, s3;
	v0 =	vadd.f32 v0, v2;
	v2 =	vld [tilespmem:s21+$0xC020]  }
0x2d6: {  	s16 =	rddreg [dreg:$0xf];
	s6 =	sshrl.u32 s6, $0x6;
	s5 =	smul.u32 $0xFFFE7000, s5;
	[tilespmem:s21+$0x17E20] =	vst v4;
	v4 =	vadd.f32 v5, v8;
	v8 =	vld [tilespmem:s21+$0xBEB0]  }
0x2d7: {  	s22 =	rddreg [dreg:$0x11];
	s7 =	sshrl.u32 s7, $0x6;
	s6 =	smul.u32 $0xFFFE7000, s6;
	v5 =	vld [tilespmem:s28+$0x10];
	[tilespmem:s21+$0x17DA0] =	vst v0;
	v0 =	vadd.f32 v6, v7  }
0x2d8: {  	s9 =	sadd.s32 $0x8, s9;
	s10 =	sshrl.u32 s10, $0x6;
	s7 =	smul.u32 $0xFFFE7000, s7;
	v7 =	vld [tilespmem:s21+$0xBE30]  }
0x2d9: {  	s11 =	sshrl.u32 s11, $0x6;
	s10 =	smul.u32 $0xFFFE7000, s10;
	s3 =	sshra.s32 s3, $0x2;
	v6 =	vld [tilespmem:s30+$0x10];
	[tilespmem:s21+$0x17EA0] =	vst v0;
	v0 =	vadd.f32 v3, v10  }
0x2da: {  	s2 =	sshra.s32 s2, $0x2;
	s3 =	sadd.s32 s3, s13;
	s13 =	smulhi.u32 $0x51EB851F, s9;
	[tilespmem:s21+$0x17F20] =	vst v4;
	v10 =	vld [tilespmem:s21+$0xBFB0]  }
0x2db: {  	s11 =	smul.u32 $0xFFFE7000, s11;
	s7 =	sshra.s32 s7, $0x2;
	s2 =	sadd.s32 s2, s12;
	v3 =	vld [tilespmem:s24+$0x10];
	[tilespmem:s21+$0x17FA0] =	vst v0;
	v0 =	vadd.f32 v11, v9  }
0x2dc: {  	s7 =	sadd.s32 s7, s16;
	s16 =	rddreg [dreg:$0x12];
	s12 =	sshrl.u32 s13, $0x6;
	v1 =	vadd.f32 v1, v2;
	v2 =	vld [tilespmem:s29+$0x30]  }
0x2dd: {  	s5 =	sshra.s32 s5, $0x2;
	s13 =	sadd.s32 $0x1000, s16;
	s12 =	smul.u32 $0xFFFE7000, s12;
	[tilespmem:s21+$0x17D30] =	vst v0;
	v0 =	vld [tilespmem:s21+$0xBDB0]  }
0x2de: {  	s6 =	sshra.s32 s6, $0x2;
	[dreg:$0x12] =	wrdreg s13;
	s13 =	sshra.s32 s13, $0x2;
	v9 =	vld [tilespmem:s21+$0xBF30]  }
0x2df: {  	s6 =	sadd.s32 s6, s15;
	s15 =	rddreg [dreg:$0xc];
	s12 =	sshra.s32 s12, $0x2;
	v11 =	vld [tilespmem:s13+$0xC080]  }
0x2e0: {  	s10 =	sshra.s32 s10, $0x2;
	s11 =	sshra.s32 s11, $0x2;
	s12 =	sadd.s32 s12, s15;
	v4 =	vld [tilespmem:s26+$0x10];
	[tilespmem:s21+$0x18020] =	vst v1  }
0x2e1: {  	s5 =	sadd.s32 s5, s14;
	s11 =	sadd.s32 s11, s22;
	s12 =	sadd.s32 s20, s12;
	v1 =	vld [tilespmem:s23+$0x10]  }
0x2e2: {  	s2 =	sadd.s32 s20, s2;
	s31 =	rddreg [dreg:$0x10];
	s22 =	sadd.s32 s13, s12;
	v0 =	vadd.f32 v6, v0;
	v6 =	vld [tilespmem:s21+$0xC030]  }
0x2e3: {  	s3 =	sadd.s32 s20, s3;
	s10 =	sadd.s32 s10, s31;
	s31 =	sadd.s32 s13, s2;
	v5 =	vadd.f32 v5, v7;
	v7 =	vld [tilespmem:s22+$0xFFFFFFE0]  }
0x2e4: {  	s5 =	sadd.s32 s20, s5;
	s30 =	sadd.s32 s13, s3;
	[tilespmem:s21+$0x17DB0] =	vst v0;
	v0 =	vadd.f32 v3, v8;
	v3 =	vld [tilespmem:s31+$0xFFFFFFE0]  }
0x2e5: {  	s6 =	sadd.s32 s20, s6;
	s28 =	sadd.s32 s13, s5;
	[tilespmem:s21+$0x17E30] =	vst v5;
	v2 =	vadd.f32 v2, v9;
	v5 =	vld [tilespmem:s30+$0xFFFFFFE0]  }
0x2e6: {  	s7 =	sadd.s32 s20, s7;
	s24 =	sadd.s32 s13, s6;
	[tilespmem:s21+$0x17EB0] =	vst v0;
	v0 =	vadd.f32 v4, v10;
	v4 =	vld [tilespmem:s28+$0xFFFFFFE0]  }
0x2e7: {  	s10 =	sadd.s32 s20, s10;
	s29 =	sadd.s32 s13, s7;
	[tilespmem:s21+$0x17F30] =	vst v2;
	v1 =	vadd.f32 v1, v6;
	v2 =	vld [tilespmem:s24+$0xFFFFFFE0]  }
0x2e8: {  	s26 =	sadd.s32 s13, s10;
	v6 =	vadd.f32 v7, v11;
	[tilespmem:s21+$0x17FB0] =	vst v0;
	v0 =	vld [tilespmem:s29+$0x0]  }
0x2e9: {  	s11 =	sadd.s32 s20, s11;
	[tilespmem:s21+$0x18030] =	vst v1;
	s21 =	smov.u32 s13;
	v1 =	vld [tilespmem:s26+$0xFFFFFFE0]  }
0x2ea: {  	s23 =	sadd.s32 s13, s11;
	[tilespmem:s21+$0x18080] =	vst v6;
	v6 =	vld [tilespmem:s21+$0xC090]  }
0x2eb: {  	v8 =	vld [tilespmem:s23+$0xFFFFFFE0]  }
0x2ec: {  	v7 =	vld [tilespmem:s22+$0xFFFFFFF0]  }
0x2ed: {  	v9 =	vld [tilespmem:s21+$0xBD00]  }
0x2ee: {  	v10 =	vld [tilespmem:s21+$0xBD80]  }
0x2ef: {  	v11 =	vld [tilespmem:s21+$0xBE00]  }
0x2f0: {  	v12 =	vld [tilespmem:s21+$0xBE80]  }
0x2f1: {  	v63 =	vld [tilespmem:s21+$0xBE90];
	v6 =	vadd.f32 v7, v6  }
0x2f2: {  	v7 =	vld [tilespmem:s21+$0xBF00]  }
0x2f3: {  	[tilespmem:s21+$0x18090] =	vst v6;
	v6 =	vld [tilespmem:s21+$0xC0A0]  }
0x2f4: {  	v3 =	vadd.f32 v3, v9;
	v9 =	vld [tilespmem:s22+$0x0]  }
0x2f5: {  	v13 =	vld [tilespmem:s21+$0xBF10];
	v5 =	vadd.f32 v5, v10  }
0x2f6: {  	[tilespmem:s21+$0x17D00] =	vst v3;
	v3 =	vadd.f32 v4, v11;
	v4 =	vld [tilespmem:s21+$0xBF80]  }
0x2f7: {  	[tilespmem:s21+$0x17D80] =	vst v5;
	v5 =	vld [tilespmem:s21+$0xC000];
	v0 =	vadd.f32 v0, v7  }
0x2f8: {  	v10 =	vld [tilespmem:s31+$0xFFFFFFF0];
	[tilespmem:s21+$0x17E00] =	vst v3  }
0x2f9: {  	v3 =	vld [tilespmem:s30+$0xFFFFFFF0];
	[tilespmem:s21+$0x17F00] =	vst v0;
	v0 =	vadd.f32 v9, v6  }
0x2fa: {  	v7 =	vld [tilespmem:s28+$0xFFFFFFF0]  }
0x2fb: {  	v2 =	vadd.f32 v2, v12;
	[tilespmem:s21+$0x180A0] =	vst v0;
	v0 =	vld [tilespmem:s21+$0xC0B0]  }
0x2fc: {  	v1 =	vadd.f32 v1, v4;
	v4 =	vld [tilespmem:s22+$0x10]  }
0x2fd: {  	[tilespmem:s21+$0x17E80] =	vst v2;
	v2 =	vadd.f32 v8, v5;
	v5 =	vld [tilespmem:s21+$0xBD10]  }
0x2fe: {  	v8 =	vld [tilespmem:s21+$0xBD90]  }
0x2ff: {  	v9 =	vld [tilespmem:s24+$0xFFFFFFF0]  }
0x300: {  	v11 =	vld [tilespmem:s29+$0x10]  }
0x301: {  	v0 =	vadd.f32 v4, v0;
	v4 =	vld [tilespmem:s21+$0xBE10]  }
0x302: {  	s1 =	sadd.s32 $0x8, s1;
	[tilespmem:s21+$0x17F80] =	vst v1;
	v6 =	vld [tilespmem:s21+$0xBF90]  }
0x303: {  	p0 =	slt.u32 s1, $0x78;
	[tilespmem:s21+$0x18000] =	vst v2;
	v2 =	vld [tilespmem:s26+$0xFFFFFFF0]  }
.Ltmp5:
0x304: {  	v1 =	vld [tilespmem:s23+$0xFFFFFFF0];
	v8 =	vadd.f32 v3, v8;
	(pc) =	sbr.rel @p0 .LBB2_12-.Ltmp5, $4  }
0x305: {  	v3 =	vld [tilespmem:s21+$0xBD20];
	[tilespmem:s21+$0x180B0] =	vst v0;
	v0 =	vadd.f32 v10, v5  }
0x306: {  	[tilespmem:s21+$0x17D90] =	vst v8;
	v5 =	vld [tilespmem:s21+$0xC010];
	v7 =	vadd.f32 v7, v4  }
0x307: {  	[tilespmem:s21+$0x17D10] =	vst v0;
	v0 =	vld [tilespmem:s30+$0x0]  }
0x308: {  	s0 =	sadd.s32 $0x8, s0;
	v8 =	vadd.f32 v9, v63;
	v4 =	vld [tilespmem:s31+$0x0];
	[tilespmem:s21+$0x17E10] =	vst v7;
	v7 =	vadd.f32 v11, v13  }
0x309: {  	v9 =	vld [tilespmem:s28+$0x0]  }
0x30a: {  	v46 =	vld [tilespmem:s21+$0xBDA0]  }
0x30b: {  	v47 =	vld [tilespmem:s21+$0xBE20]  }
0x30c: {  	v10 =	vld [tilespmem:s21+$0xBEA0]  }
0x30d: {  	v48 =	vld [tilespmem:s21+$0xBF20]  }
0x30e: {  	v11 =	vld [tilespmem:s21+$0xBFA0]  }
0x30f: {  	v49 =	vld [tilespmem:s21+$0xC020]  }
0x310: {  	v51 =	vld [tilespmem:s21+$0xBD30]  }
0x311: {  	v58 =	vld [tilespmem:s21+$0xBDB0]  }
0x312: {  	v59 =	vld [tilespmem:s21+$0xBE30]  }
0x313: {  	v60 =	vld [tilespmem:s21+$0xBEB0]  }
0x314: {  	v61 =	vld [tilespmem:s21+$0xBF30]  }
0x315: {  	v2 =	vadd.f32 v2, v6;
	v62 =	vld [tilespmem:s21+$0xBFB0];
	[tilespmem:s21+$0x17E90] =	vst v8  }
0x316: {  	[tilespmem:s21+$0x17F10] =	vst v7;
	v44 =	vld [tilespmem:s24+$0x0];
	v1 =	vadd.f32 v1, v5  }
0x317: {  	v45 =	vld [tilespmem:s29+$0x20];
	[tilespmem:s21+$0x17F90] =	vst v2  }
0x318: {  	v2 =	vld [tilespmem:s26+$0x0];
	[tilespmem:s21+$0x18010] =	vst v1;
	v3 =	vadd.f32 v4, v3  }
0x319: {  	v1 =	vld [tilespmem:s23+$0x0];
	v0 =	vadd.f32 v0, v46  }
0x31a: {  	v63 =	vld [tilespmem:s21+$0xC030];
	v8 =	vadd.f32 v9, v47;
	[tilespmem:s21+$0x17D20] =	vst v3  }
0x31b: {  	v50 =	vld [tilespmem:s31+$0x10];
	[tilespmem:s21+$0x17DA0] =	vst v0;
	v52 =	vadd.f32 v44, v10  }
0x31c: {  	[tilespmem:s21+$0x17E20] =	vst v8;
	v4 =	vadd.f32 v45, v48;
	v53 =	vld [tilespmem:s30+$0x10]  }
0x31d: {  	v54 =	vld [tilespmem:s28+$0x10];
	v55 =	vadd.f32 v2, v11;
	[tilespmem:s21+$0x17EA0] =	vst v52  }
0x31e: {  	[tilespmem:s21+$0x17F20] =	vst v4;
	v56 =	vld [tilespmem:s24+$0x10];
	v1 =	vadd.f32 v1, v49  }
0x31f: {  	v57 =	vld [tilespmem:s29+$0x30];
	[tilespmem:s21+$0x17FA0] =	vst v55  }
0x320: {  	v0 =	vld [tilespmem:s26+$0x10];
	[tilespmem:s21+$0x18020] =	vst v1;
	v7 =	vadd.f32 v50, v51  }
0x321: {  	v1 =	vld [tilespmem:s23+$0x10];
	v4 =	vadd.f32 v53, v58  }
0x322: {  	v5 =	vadd.f32 v54, v59;
	[tilespmem:s21+$0x17D30] =	vst v7  }
0x323: {  	[tilespmem:s21+$0x17DB0] =	vst v4;
	v2 =	vadd.f32 v56, v60  }
0x324: {  	[tilespmem:s21+$0x17E30] =	vst v5;
	v3 =	vadd.f32 v57, v61  }
0x325: {  	v0 =	vadd.f32 v0, v62;
	[tilespmem:s21+$0x17EB0] =	vst v2  }
0x326: {  	[tilespmem:s21+$0x17F30] =	vst v3;
	v1 =	vadd.f32 v1, v63  }
0x327: {  	[tilespmem:s21+$0x17FB0] =	vst v0  }
0x328: {  	s5 =	simm.s32 $0x0;
	[tilespmem:s21+$0x18030] =	vst v1  }
0x329: {  	s18 =	simm.s32 $0x17D00;
	s29 =	simm.s32 $0x4;
	s0 =	rddreg [dreg:$0x1a]  }
0x32a: {  	[hbm4b:s0+s5] =	stream.linear.scatter [tilespmem:s18], [sflag:$0x5], $0x4000, $0x38;
	[tilespmem:$0x1FD00] =	vst v63  }
0x32b: {  	_ =	swait.ge [sflag:s29], $0x4000  }
0x32c: {  	[sflag:s29] =	ssyncset.done $0x0  }
0x32d: {  	s30 =	simm.s32 $0x5;
	[sflag:s29] =	ssyncadd.s32 $0xFFFFC000  }
0x32e: {  	_ =	swait.ge [sflag:s30], $0x4000  }
0x32f: {  	[sflag:s30] =	ssyncset.done $0x0  }
0x330: {  	s1 =	simm.s32 $0x6;
	[sflag:s30] =	ssyncadd.s32 $0xFFFFC000  }
0x331: {  	_ =	swait.ge [sflag:s1], $0x4000  }
0x332: {  	s4 =	sld [smem:$0x7EB];
	_ =	sdelay $0x2  }
0x333: {  	s31 =	rddreg [dreg:$0x1c];
	s4 =	sadd.s32 $0x1, s4  }
0x334: {  	s6 =	simm.s32 $0x80;
	p0 =	sne.s32 s4, s31  }
.Ltmp6:
0x335: {  	s12 =	simm.s32 $0x7D00;
	s3 =	rddreg [dreg:$0x14];
	(pc) =	sbr.rel @p0 .LBB2_1-.Ltmp6, $4  }
0x336: {  	s13 =	simm.s32 $0xBD00;
	s15 =	simm.s32 $0x1;
	s10 =	rddreg [dreg:$0x16]  }
0x337: {  	s16 =	simm.s32 $0x13D00;
	s17 =	simm.s32 $0x2;
	s7 =	rddreg [dreg:$0x18]  }
0x338: {  	s19 =	simm.s32 $0x3;
	[sflag:s1] =	ssyncset.done $0x0;
	s11 =	rddreg [dreg:$0x1b]  }
0x339: {  	s25 =	simm.s32 $0x1BD00;
	s2 =	rddreg [dreg:$0x1d];
	[sflag:s1] =	ssyncadd.s32 $0xFFFFC000  }
0x33a: {  	_ =	sfence.sel $0x180000  }
0x33b: {  	[bflag:$0x0] =	sbarrier.arrive $0xFFFF  }
0x33c: {  	_ =	strace $0x90000047  }
0x33d: {  	s0 =	stileid.u32;
	[bflag:$0x2] =	sbarrier.arrive $0xFFFF  }
0x33e: {  	p0 =	sne.s32 s0, $0x0;
	s0 =	rddreg [dreg:$0x1]  }
0x33f: {  	s0 =	sadd.s32 @!p0 $0x100000, s0  }
0x340: {  	[sflag:s0] =	ssyncadd.tile.s32 @!p0 $0x1;
	_ =	shalt  }
.Lfunc_end2:
_tile_overlayer_lowered:
.L_overlay_start_2:
0x341: {  	(tag) =	ssettag $0x2  }
0x342: {  	s0 =	rddreg [dreg:$0x0];
	s2 =	stileid.u32  }
0x343: {  	s1 =	rddreg [dreg:$0x1];
	p0 =	sne.s32 s2, $0x0  }
0x344: {  	s3 =	rddreg [dreg:$0x2];
	[bflag:$0x3] =	sbarrier.arrive $0xFFFF;
	s2 =	simm.s32 @!p0 $0x1C07  }
0x345: {  	[timem:s3], [sflag:s2] =	dma.local @!p0 [hbm:s0], s1  }
0x346: {  	s0 =	simm.s32 @!p0 $0x7  }
0x347: {  	_ =	swait.ge @!p0 [sflag:s0], s1  }
0x348: {  	s1 =	ssub.s32 @!p0 $0x0, s1;
	[sflag:s0] =	ssyncset.done @!p0 $0x0  }
0x349: {  	[sflag:s0] =	ssyncadd.s32 @!p0 s1  }
0x34a: {  	[bflag:$0x3] =	sbarrier.arrive $0xFFFF  }
0x34b: {  	_ =	shalt  }

// kernel: sparse-core-data-format-call.cloned.1.call-start
scs
called_computation_lowered:
.L_overlay_start_0:
0x0: {  	s2 =	sld [smem:$0x3FD9]  }
0x1: {  	s3 =	sld [smem:$0x3FFE];
	_ =	sdelay $0x1  }
0x2: {  	s1 =	srdreg.scid  }
0x3: {  	s0 =	sand.u32 $0x1, s1  }
0x4: {  	s18 =	sshll.u32 s0, $0xA;
	s2 =	sadd.s32 s3, s2  }
0x5: {  	s2 =	sadd.s32 s2, s18  }
0x6: {  	[smem:$0x3FC5] =	sst s2  }
0x7: {  	_ = 	snop  }
0x8: {  	s2 =	sld [smem:$0x3FD0];
	(tm) =	ssettm $0x1  }
0x9: {  	s19 =	sld [smem:$0x3FFB];
	_ =	sdelay $0x3  }
0xa: {  	_ =	strace s19  }
0xb: {  	s3 =	sld [smem:$0x3FFC];
	_ =	sdelay $0x3  }
0xc: {  	_ =	strace s3  }
0xd: {  	s3 =	sld [smem:$0x3FFD];
	_ =	sdelay $0x3  }
0xe: {  	_ =	strace s3  }
0xf: {  	_ =	strace $0x8FFFFFFF  }
0x10: {  	s20 =	sld [smem:$0x3FDB];
	_ =	sdelay $0x1  }
0x11: {  	s4 =	simm.s32 $_scs_section_size  }
0x12: {  	s5 =	simm.s32 $_size__tile_overlayer_lowered;
	s6 =	simm.s32 $_tile_overlayer_lowered  }
0x13: {  	s23 =	simm.s32 $0x1BFF;
	s22 =	sshll.u32 s6, $0x1;
	s3 =	sadd.s32 s4, s20  }
0x14: {  	s7 =	simm.s32 $0x0;
	s21 =	sshll.u32 s5, $0x1;
	s5 =	sadd.s32 s22, s3  }
0x15: {  	[timem:s7], [sflag:s23] =	dma.local [hbm:s5], s21  }
0x16: {  	_ =	swait.ge [sflag:s23], s21  }
0x17: {  	s4 =	ssub.s32 $0x0, s21;
	[sflag:s23] =	ssyncset.done $0x0  }
0x18: {  	[sflag:s23] =	ssyncadd.s32 s4;
	_ =	sdelay $0x1  }
0x19: {  	s24 =	simm.s32 $0x1B8B  }
0x1a: {  	_ =	swait.ge [sflag:s24], $0x1  }
0x1b: {  	[sflag:s24] =	ssyncset.done $0x0  }
0x1c: {  	s26 =	simm.s32 $0x1B8E;
	s25 =	sld [smem:$0x3FFE];
	[sflag:s24] =	ssyncadd.s32 $0xFFFFFFFF  }
0x1d: {  	s27 =	simm.s32 $execute0_lowered;
	[smem:$0x3FD2] =	sst s26  }
0x1e: {  	s5 =	sshll.u32 s27, $0x1;
	_ =	strace $0x80000049;
	[dreg:$0x1] =	wrdreg $0xFFFFFFFF  }
0x1f: {  	s28 =	simm.s32 $_size_execute0_lowered;
	s3 =	sadd.s32 s3, s5;
	[dreg:$0x0] =	wrdreg $0x0  }
0x20: {  	s5 =	sshll.u32 s28, $0x1;
	[dreg:$0x2] =	wrdreg s3  }
0x21: {  	[dreg:$0x3] =	wrdreg s5  }
0x22: {  	[dreg:$0x4] =	wrdreg $0xC0  }
0x23: {  	_ =	task [dreg:s7], $0x5FFFF  }
0x24: {  	[dreg:$0x1] =	wrdreg $0xFFFFFFFF  }
0x25: {  	[dreg:$0x0] =	wrdreg $0x60  }
0x26: {  	[dreg:$0x2] =	wrdreg s25  }
0x27: {  	[dreg:$0x3] =	wrdreg s2  }
0x28: {  	[dreg:$0x4] =	wrdreg $0x9  }
0x29: {  	_ =	task.clear_ibuf [dreg:s7], $0x5FFFF;
	_ =	strace $0x90000049  }
0x2a: {  	s29 =	simm.s32 $0x9;
	_ =	strace $0x8000004B  }
0x2b: {  	_ =	swait.ge [sflag:s29], $0x1  }
0x2c: {  	[sflag:s29] =	ssyncadd.s32 $0xFFFFFFFF  }
0x2d: {  	_ =	strace $0x9000004B  }
0x2e: {  	_ =	sfence  }
0x2f: {  	s30 =	sld [smem:$0x0];
	_ =	sdelay $0x2  }
0x30: {  	s31 =	sshll.u32 s1, $0xD;
	s1 =	sshrl.u32 s1, $0x2  }
0x31: {  	s3 =	sand.u32 $0x4000, s31;
	s1 =	sadd.s32 s1, s30  }
0x32: {  	s0 =	sor.u32 s3, s0;
	s1 =	sshll.u32 s1, $0x11  }
0x33: {  	s0 =	sor.u32 s1, s0  }
0x34: {  	s0 =	sadd.s32 $0x8F2B, s0  }
0x35: {  	[sflag:s0] =	ssyncadd.remote.s32 $0x1  }
0x36: {  	_ =	sfence.sel $0xFFFF  }
0x37: {  	[dreg:$0x0] =	wrdreg $0xFFFFFFFF;
	(pc) =	sbr.abs _section_cstart, $3  }
0x38: {  	[dreg:$0x1] =	wrdreg $0xFFFFFFFF  }
0x39: {  	_ =	task.clear_ibuf [dreg:s7], $0x2FFFF;
	_ =	strace $0x9FFFFFFF  }
0x3a: {  	(tm) =	ssettm $0x7FFFFFFF  }
0x3b: {  	_ =	shalt  }
tec
execute0_lowered:
.L_overlay_start_1:
0x0: {  	(tag) =	ssettag $0x1  }
0x1: {  	s0 =	stileid.u32;
	s6 =	rddreg [dreg:$0x0]  }
0x2: {  	s2 =	rddreg [dreg:$0x1];
	s5 =	srdreg.scid  }
0x3: {  	s31 =	simm.s32 $0x2;
	s13 =	simm.s32 $0x0;
	s1 =	sshll.u32 s0, $0x7  }
0x4: {  	s14 =	simm.s32 $0x0;
	s12 =	simm.s32 $0x0;
	s3 =	sand.u32 $0x380, s1  }
0x5: {  	s5 =	sshll.u32 s5, $0x4;
	s6 =	sadd.s32 $0x18E400, s6;
	s4 =	ssub.s32 $0x400, s3  }
0x6: {  	s1 =	rddreg [dreg:$0x2];
	_ =	strace $0x8000004A;
	s7 =	sand.u32 $0x380, s4  }
0x7: {  	s5 =	sand.u32 $0x10, s5;
	p0 =	sne.s32 s7, $0x0;
	s7 =	simm.s32 $0x1  }
.Ltmp0:
0x8: {  	s8 =	sshrl.u32 s4, $0xA;
	s7 =	simm.s32 @!p0 $0x0;
	(pc) =	sbr.rel .LBB1_1-.Ltmp0, $4  }
0x9: {  	s9 =	sor.u32 s0, s5;
	s4 =	simm.s32 $0x1;
	s30 =	sadd.s32 s7, s8  }
0xa: {  	s11 =	smov.u32 s3;
	[sflag:s4] =	ssyncpa.u1 $0x0;
	s5 =	smul.u32 $0x32, s30  }
0xb: {  	[sflag:s31] =	ssyncpa.u1 $0x0;
	p0 =	por $0x0, $0x0;
	s7 =	sshrl.u32 s9, $0x3  }
0xc: {  	s9 =	simm.s32 $0x2000;
	s10 =	smov.u32 s7;
	s8 =	sor.u32 $0x1, s5  }
.LBB1_4:
0xd: {  	s17 =	sand.u32 $0x1F80, s14;
	s13 =	sshll.u32 s13, $0xD  }
0xe: {  	[tilespmem:s16+$0x810 ss:$0x81] =	vst.msk $0xffff, v2;
	s18 =	sshrl.u32 s14, $0x3;
	s31 =	sand.u32 $0x7, s14;
	s17 =	sadd.s32 s2, s17  }
0xf: {  	[tilespmem:s16+$0x1020 ss:$0x81] =	vst.msk $0xffff, v0;
	s18 =	sand.u32 $0xF, s18;
	s14 =	sshll.u32 s31, $0x12;
	s13 =	sadd.s32 s13, s17  }
0x10: {  	[tilespmem:s16+$0x0 ss:$0x81] =	vst.msk $0xffff, v1;
	s14 =	sor.u32 $0x400, s14;
	s13 =	sadd.s32 s18, s13  }
0x11: {  	[hbm4b:s13+s14] =	stream.strided.scatter [tilespmem:s15], [sflag:$0x2], $0x2000, s9, s14, $0x20;
	[tilespmem:$0x8080] =	vst v63  }
.LBB1_5:
0x12: {  	s15 =	sadd.s32 $0x4, s10  }
0x13: {  	s13 =	sadd.s32 $0x400, s11;
	s17 =	smov.u32 s11;
	p2 =	sgt.s32 s15, $0xC7  }
0x14: {  	s17 =	smov.u32 @p2 s13  }
0x15: {  	s15 =	smov.u32 @p2 s7;
	p2 =	sgt.s32 s17, $0x3FF  }
0x16: {  	s17 =	smov.u32 @p2 s3;
	p2 =	sne.s32 s12, s8  }
.Ltmp1:
0x17: {  	p1 =	slt.u32 s12, $0x2;
	(pc) =	sbr.rel @!p2 .LBB1_6-.Ltmp1, $4  }
0x18: {  	s16 =	simm.s32 @!p1 $0x2  }
0x19: {  	s14 =	smov.u32 s11;
	p0 =	por !p0, !p0;
	_ =	swait.ge @!p1 [sflag:s16], $0x2000  }
0x1a: {  	s13 =	smov.u32 s10;
	[sflag:s16] =	ssyncset.done @!p1 $0x0;
	s10 =	smov.u32 s15  }
0x1b: {  	s12 =	sadd.s32 $0x1, s12;
	[sflag:s16] =	ssyncadd.s32 @!p1 $0xFFFFE000;
	s11 =	smov.u32 s17  }
.LBB1_1:
0x1c: {  	p1 =	sge.u32 s12, s5  }
0x1d: {  	s15 =	sand.u32 @!p1 $0x1FFFFFF, s10  }
0x1e: {  	s16 =	smulhi.u32 @!p1 $0x147AE15, s15;
	_ =	sdelay $0x1  }
0x1f: {  	s16 =	smul.u32 @!p1 $0xC8, s16  }
0x20: {  	s17 =	sxor.u32 @!p1 $0xFFFFFFFF, s12;
	s18 =	smul.u32 @!p1 $0xC80, s11  }
0x21: {  	s31 =	sadd.s32 $0xFFFFFFFF, s12;
	s17 =	sshll.u32 @!p1 s17, $0xD;
	s15 =	ssub.s32 @!p1 s15, s16  }
0x22: {  	s16 =	sand.u32 @!p1 $0x2000, s17;
	s17 =	sadd.s32 @!p1 s6, s18;
	s15 =	sshll.u32 @!p1 s15, $0x4  }
0x23: {  	s18 =	simm.s32 @!p1 $0x6400;
	s15 =	sadd.s32 @!p1 s15, s17;
	s17 =	simm.s32 @!p1 $0x40  }
0x24: {  	[tilespmem:s16], [sflag:$0x1] =	stream.strided.gather @!p1 [hbm4b:s15+s17], $0x2000, s18, s17, $0x38;
	[tilespmem:$0x8080] =	vst v63  }
0x25: {  	p1 =	sge.u32 s31, s5  }
.Ltmp2:
0x26: {  	_ = 	snop;
	(pc) =	sbr.rel @p1 .LBB1_5-.Ltmp2, $1  }
0x27: {  	_ =	sdelay $0x3  }
0x28: {  	s15 =	simm.s32 $0x1  }
0x29: {  	_ =	swait.ge [sflag:s4], $0x2000;
	s15 =	simm.s32 @!p0 $0x0  }
0x2a: {  	[sflag:s4] =	ssyncset.done $0x0;
	s16 =	sshll.u32 s15, $0xD  }
0x2b: {  	[sflag:s4] =	ssyncadd.s32 $0xFFFFE000;
	s19 =	sor.u32 $0x20, s16  }
0x2c: {  	s15 =	smul.u32 $0x8100, s15;
	v3 =	vld [tilespmem:s19+$0x10]  }
0x2d: {  	s30 =	sand.u32 $0x1, s12;
	v2 =	vld [tilespmem:s19+$0xFFFFFFF0]  }
0x2e: {  	s16 =	smul.u32 $0x8100, s30;
	s15 =	sshrl.u32 s15, $0x2;
	v0 =	vld [tilespmem:s19+$0x0]  }
0x2f: {  	v1 =	vld [tilespmem:s19+$0xFFFFFFE0];
	s17 =	sor.u32 $0x4000, s15  }
0x30: {  	s31 =	sshrl.u32 s16, $0x2;
	s16 =	sadd.s32 $0x0, s17  }
0x31: {  	s18 =	simm.s32 $0x4;
	s19 =	sadd.s32 $0x40, s19;
	s15 =	sor.u32 $0x4000, s31;
	[tilespmem:s16+$0x1830 ss:$0x81] =	vst.msk $0xffff, v3  }
.LBB1_3:
0x32: {  	v3 =	vld [tilespmem:s19+$0x10];
	p1 =	sne.s32 s18, $0x1FC;
	[tilespmem:s16+$0x810 ss:$0x81] =	vst.msk $0xffff, v2;
	s20 =	smov.u32 s18;
	s18 =	sadd.s32 $0x4, s18  }
.Ltmp3:
0x33: {  	v2 =	vld [tilespmem:s19+$0xFFFFFFF0];
	[tilespmem:s16+$0x1020 ss:$0x81] =	vst.msk $0xffff, v0;
	(pc) =	sbr.rel @p1 .LBB1_3-.Ltmp3, $4  }
0x34: {  	v0 =	vld [tilespmem:s19+$0x0];
	[tilespmem:s16+$0x0 ss:$0x81] =	vst.msk $0xffff, v1  }
0x35: {  	s16 =	sshra.s32 s20, $0x2;
	v1 =	vld [tilespmem:s19+$0xFFFFFFE0]  }
0x36: {  	s16 =	sadd.s32 s16, s17  }
0x37: {  	s19 =	sadd.s32 $0x40, s19;
	[tilespmem:s16+$0x1830 ss:$0x81] =	vst.msk $0xffff, v3  }
.Ltmp4:
0x38: {  	_ = 	snop;
	(pc) =	sbr.rel .LBB1_4-.Ltmp4, $1  }
0x39: {  	_ =	sdelay $0x3  }
.LBB1_6:
0x3a: {  	_ =	sfence.sel $0x180000  }
0x3b: {  	s2 =	simm.s32 $0x1;
	[bflag:$0x0] =	sbarrier.arrive $0xFFFF  }
0x3c: {  	s31 =	simm.s32 $0x2;
	[sflag:s2] =	ssyncpa.u1 $0x1  }
0x3d: {  	[sflag:s31] =	ssyncpa.u1 $0x1  }
0x3e: {  	p0 =	sne.s32 s0, $0x0;
	_ =	strace $0x9000004A  }
0x3f: {  	s0 =	sadd.s32 @!p0 $0x100000, s1;
	[bflag:$0x2] =	sbarrier.arrive $0xFFFF  }
0x40: {  	[sflag:s0] =	ssyncadd.tile.s32 @!p0 $0x1;
	_ =	shalt  }
.Lfunc_end1:
_tile_overlayer_lowered:
.L_overlay_start_2:
0x41: {  	(tag) =	ssettag $0x2  }
0x42: {  	s0 =	rddreg [dreg:$0x0];
	s2 =	stileid.u32  }
0x43: {  	s1 =	rddreg [dreg:$0x1];
	p0 =	sne.s32 s2, $0x0  }
0x44: {  	s3 =	rddreg [dreg:$0x2];
	[bflag:$0x3] =	sbarrier.arrive $0xFFFF;
	s2 =	simm.s32 @!p0 $0x1C01  }
0x45: {  	[timem:s3], [sflag:s2] =	dma.local @!p0 [hbm:s0], s1  }
0x46: {  	s0 =	simm.s32 @!p0 $0x1  }
0x47: {  	_ =	swait.ge @!p0 [sflag:s0], s1  }
0x48: {  	s1 =	ssub.s32 @!p0 $0x0, s1;
	[sflag:s0] =	ssyncset.done @!p0 $0x0  }
0x49: {  	[sflag:s0] =	ssyncadd.s32 @!p0 s1  }
0x4a: {  	[bflag:$0x3] =	sbarrier.arrive $0xFFFF  }
0x4b: {  	_ =	shalt  }

</sc_bundles>
